<compile_context>
chip_gen: v7x
topology: tpu7x:2x2x1
jax: 0.10.2.dev20260603
libtpu: 0.0.44.dev20260713+nightly
codegen_flags: <defaults>
</compile_context>

<pallas_src>
import functools

import numpy as np
import jax
import jax.numpy as jnp
from jax import lax
from jax.experimental import pallas as pl
from jax.experimental.pallas import tpu as pltpu
from jax.experimental.pallas import tpu_sc as plsc

_VOCAB = 100000
_D = 128
_WIN = 2048
_BATCH = 4
_B = _BATCH * _WIN
_NW = 32
_BPW = _B // _NW
_NCHUNK = 8
_CH = _BPW // _NCHUNK
_SCALE = float(np.sqrt(np.float32(_D)))


def _make_pos_encoding(length, depth):
    pos = np.arange(length)[:, np.newaxis]
    i = np.arange(depth)[np.newaxis, :]
    angle_rates = 1 / np.power(10000, 2 * (i // 2) / np.float32(depth))
    angle_rads = pos * angle_rates
    sin_angles = np.sin(angle_rads[:, 0::2])
    cos_angles = np.cos(angle_rads[:, 1::2])
    return np.concatenate([sin_angles, cos_angles], axis=-1)


_POS = jnp.asarray(_make_pos_encoding(_WIN, _D), dtype=jnp.float32)


def _fused_sc(table, x, pos):
    mesh = plsc.VectorSubcoreMesh(core_axis_name="c", subcore_axis_name="s")

    @functools.partial(
        pl.kernel,
        mesh=mesh,
        out_type=jax.ShapeDtypeStruct((_B, _D), jnp.float32),
        scratch_types=[
            pltpu.VMEM((_BPW,), jnp.int32),
            pltpu.VMEM((_BPW, _D), jnp.float32),
            pltpu.VMEM((_BPW, _D), jnp.float32),
            pltpu.SemaphoreType.DMA,
            pltpu.SemaphoreType.DMA((_NCHUNK,)),
            pltpu.SemaphoreType.DMA,
            pltpu.SemaphoreType.DMA,
        ],
    )
    def k(table_hbm, x_hbm, out_hbm, idx_v, rows_v, pos_v,
          sem_i, sem_g, sem_p, sem_s):
        wid = lax.axis_index("s") * 2 + lax.axis_index("c")
        b = wid // (_WIN // _BPW)
        tok0 = (wid % (_WIN // _BPW)) * _BPW
        base = wid * _BPW
        pltpu.async_copy(x_hbm.at[b, pl.ds(tok0, _BPW)], idx_v, sem_i).wait()

        gathers = []
        for c in range(_NCHUNK):
            gathers.append(
                pltpu.async_copy(
                    table_hbm.at[idx_v.at[pl.ds(c * _CH, _CH)]],
                    rows_v.at[pl.ds(c * _CH, _CH)],
                    sem_g.at[c],
                )
            )
        stores = []
        for c in range(_NCHUNK):
            gathers[c].wait()

            @pl.loop(c * _CH, (c + 1) * _CH)
            def _(r):
                for j in range(0, _D, 16):
                    slc = (pl.ds(r, 1), pl.ds(j, 16))
                    plsc.addupdate(
                        pos_v.at[*slc], rows_v.at[*slc][...] * _SCALE
                    )

            stores.append(
                pltpu.async_copy(
                    pos_v.at[pl.ds(c * _CH, _CH)],
                    out_hbm.at[pl.ds(base + c * _CH, _CH)],
                    sem_s,
                )
            )
        for s in stores:
            s.wait()

    return k(table, x)


def kernel(x, table):
    out = _fused_sc(table, x, _POS)
    return out.reshape(_BATCH, _WIN, _D)

# --- scband reference (transcript-rebuilt; emitter-appended) ---
"""Pipeline reference for scband-positional-encoding-89687507076310 (READ-ONLY COPY).

The authoritative reference and input builder live on the scoring server;
editing this copy changes nothing except your own understanding.
"""

import jax, jax.numpy as jnp
import numpy as np

VOCAB_SIZE = 100000
EMBED_SIZE = 128
WINDOW_SIZE = 2048
BATCH = 4


def positional_encoding(length, depth):
    def get_angles(pos, i, d_model):
        angle_rates = 1 / np.power(10000, 2 * (i // 2) / np.float32(d_model))
        return pos * angle_rates
    angle_rads = get_angles(np.arange(length)[:, np.newaxis],
                            np.arange(depth)[np.newaxis, :], depth)
    sin_angles = np.sin(angle_rads[:, 0::2])
    cos_angles = np.cos(angle_rads[:, 1::2])
    pos_encoding = np.concatenate([sin_angles, cos_angles], axis=-1)
    pos_encoding = pos_encoding[np.newaxis, ...]
    return pos_encoding


POS_ENCODING = jnp.asarray(
    positional_encoding(WINDOW_SIZE, EMBED_SIZE)[..., :WINDOW_SIZE, :],
    dtype=jnp.float32)


def setup_inputs(seed: int = 0) -> dict:
    key = jax.random.key(seed)
    k1, k2 = jax.random.split(key)
    x = jax.random.randint(k1, (BATCH, WINDOW_SIZE), 0, VOCAB_SIZE, dtype=jnp.int64 if jax.config.jax_enable_x64 else jnp.int32)
    table = jax.random.normal(k2, (VOCAB_SIZE, EMBED_SIZE), dtype=jnp.float32) * 0.02
    return {"x": x, "table": table}


def reference(x, table):
    # Embedding lookup (gather) -> SparseCore-friendly
    embeddings = jnp.take(table, x, axis=0)
    embeddings = embeddings * jnp.sqrt(jnp.asarray(EMBED_SIZE, dtype=jnp.float32))
    embeddings = embeddings + POS_ENCODING
    return embeddings

if __name__ == "__main__":
    import jax
    _d = setup_inputs()
    print(jax.jit(kernel)(*tuple(_d.values())))

</pallas_src>

<mosaic_0001>
#map = affine_map<(d0, d1) -> (0, 0)>
module attributes {stable_mosaic.version = 14 : i64} {
  func.func @k(%arg0: i32, %arg1: i32, %arg2: memref<100000x128xf32, #tpu.memory_space<hbm>>, %arg3: memref<4x2048xi32, #tpu.memory_space<hbm>>, %arg4: memref<8192x128xf32, #tpu.memory_space<hbm>>, %arg5: memref<256xi32, #tpu.memory_space<vmem>>, %arg6: memref<256x128xf32, #tpu.memory_space<vmem>>, %arg7: memref<256x128xf32, #tpu.memory_space<vmem>>, %arg8: memref<!tpu.dma_semaphore, #tpu.memory_space<semaphore_mem>>, %arg9: memref<8x!tpu.dma_semaphore, #tpu.memory_space<semaphore_mem>>, %arg10: memref<!tpu.dma_semaphore, #tpu.memory_space<semaphore_mem>>, %arg11: memref<!tpu.dma_semaphore, #tpu.memory_space<semaphore_mem>>) attributes {dimension_semantics = [#tpu.dimension_semantics<core_parallel>, #tpu.dimension_semantics<subcore_parallel>], iteration_bounds = array<i64: 2, 16>, scalar_prefetch = 0 : i64, scratch_operands = 7 : i64, tpu.core_type = #tpu.core_type<sc_vector_subcore>, window_params = [{transform_indices = #map}, {transform_indices = #map}, {transform_indices = #map}]} {
    %mul3A = arith.constant 2 : i32
    %mul3A_0 = arith.muli %arg1, %mul3A : i32
    %add3A = arith.addi %mul3A_0, %arg0 : i32
    %jit3A = arith.constant 8 : i32
    %div3A = arith.divsi %add3A, %jit3A : i32
    %sign3A = arith.constant 0 : i32
    %sign3A_1 = arith.cmpi sgt, %add3A, %sign3A : i32
    %sign3A_2 = arith.extui %sign3A_1 : i1 to i32
    %sign3A_3 = arith.constant 0 : i32
    %sign3A_4 = arith.cmpi slt, %add3A, %sign3A_3 : i32
    %sign3A_5 = arith.extui %sign3A_4 : i1 to i32
    %sign3A_6 = arith.subi %sign3A_2, %sign3A_5 : i32
    %sign3A_7 = arith.constant 0 : i32
    %sign3A_8 = arith.cmpi sgt, %jit3A, %sign3A_7 : i32
    %sign3A_9 = arith.extui %sign3A_8 : i1 to i32
    %sign3A_10 = arith.constant 0 : i32
    %sign3A_11 = arith.cmpi slt, %jit3A, %sign3A_10 : i32
    %sign3A_12 = arith.extui %sign3A_11 : i1 to i32
    %sign3A_13 = arith.subi %sign3A_9, %sign3A_12 : i32
    %ne3A = arith.cmpi ne, %sign3A_6, %sign3A_13 : i32
    %rem3A = arith.remsi %add3A, %jit3A : i32
    %ne3A_14 = arith.constant 0 : i32
    %ne3A_15 = arith.cmpi ne, %rem3A, %ne3A_14 : i32
    %and3A = arith.andi %ne3A, %ne3A_15 : i1
    %sub3A = arith.constant 1 : i32
    %sub3A_16 = arith.subi %div3A, %sub3A : i32
    %select_n3A = arith.select %and3A, %sub3A_16, %div3A : i32
    %jit3A_17 = arith.constant 8 : i32
    %eq3A = arith.constant 0 : i32
    %eq3A_18 = arith.cmpi eq, %jit3A_17, %eq3A : i32
    %jit3A_19 = arith.constant 1 : i32
    %select_n3A_20 = arith.select %eq3A_18, %jit3A_19, %jit3A_17 : i32
    %rem3A_21 = arith.remsi %add3A, %select_n3A_20 : i32
    %ne3A_22 = arith.constant 0 : i32
    %ne3A_23 = arith.cmpi ne, %rem3A_21, %ne3A_22 : i32
    %lt3A = arith.constant 0 : i32
    %lt3A_24 = arith.cmpi slt, %rem3A_21, %lt3A : i32
    %lt3A_25 = arith.constant 0 : i32
    %lt3A_26 = arith.cmpi slt, %select_n3A_20, %lt3A_25 : i32
    %ne3A_27 = arith.xori %lt3A_24, %lt3A_26 : i1
    %and3A_28 = arith.andi %ne3A_27, %ne3A_23 : i1
    %add3A_29 = arith.addi %rem3A_21, %select_n3A_20 : i32
    %select_n3A_30 = arith.select %and3A_28, %add3A_29, %rem3A_21 : i32
    %mul3A_31 = arith.constant 256 : i32
    %mul3A_32 = arith.muli %select_n3A_30, %mul3A_31 : i32
    %mul3A_33 = arith.constant 256 : i32
    %mul3A_34 = arith.muli %add3A, %mul3A_33 : i32
    %dma_start3A = tpu.memref_slice %arg3[%select_n3A, %mul3A_32] : memref<4x2048xi32, #tpu.memory_space<hbm>> -> memref<1x256xi32, #tpu.memory_space<hbm>>
    %dma_start3A_35 = tpu.memref_squeeze %dma_start3A : memref<1x256xi32, #tpu.memory_space<hbm>> -> memref<256xi32, #tpu.memory_space<hbm>>
    %dma_start3A_36 = tpu.memref_slice %arg3[%select_n3A, %mul3A_32] : memref<4x2048xi32, #tpu.memory_space<hbm>> -> memref<1x256xi32, #tpu.memory_space<hbm>>
    %dma_start3A_37 = tpu.memref_squeeze %dma_start3A_36 : memref<1x256xi32, #tpu.memory_space<hbm>> -> memref<256xi32, #tpu.memory_space<hbm>>
    tpu.enqueue_dma source(%dma_start3A_37 : memref<256xi32, #tpu.memory_space<hbm>>) target(%arg5 : memref<256xi32, #tpu.memory_space<vmem>>) target_semaphore(%arg8 : memref<!tpu.dma_semaphore, #tpu.memory_space<semaphore_mem>>)
    %dma_wait3A = tpu.memref_slice %arg3[%select_n3A, %mul3A_32] : memref<4x2048xi32, #tpu.memory_space<hbm>> -> memref<1x256xi32, #tpu.memory_space<hbm>>
    %dma_wait3A_38 = tpu.memref_squeeze %dma_wait3A : memref<1x256xi32, #tpu.memory_space<hbm>> -> memref<256xi32, #tpu.memory_space<hbm>>
    %dma_wait3A_39 = tpu.memref_slice %arg3[%select_n3A, %mul3A_32] : memref<4x2048xi32, #tpu.memory_space<hbm>> -> memref<1x256xi32, #tpu.memory_space<hbm>>
    %dma_wait3A_40 = tpu.memref_squeeze %dma_wait3A_39 : memref<1x256xi32, #tpu.memory_space<hbm>> -> memref<256xi32, #tpu.memory_space<hbm>>
    tpu.wait_dma2 semaphore(%arg8 : memref<!tpu.dma_semaphore, #tpu.memory_space<semaphore_mem>>) src(%dma_wait3A_40 : memref<256xi32, #tpu.memory_space<hbm>>) dst(%arg5 : memref<256xi32, #tpu.memory_space<vmem>>)
    %dma_start3A_41 = arith.constant 0 : i32
    %dma_start3A_42 = arith.constant 0 : i32
    %dma_start3A_43 = arith.constant 0 : i32
    %dma_start3A_44 = tpu.memref_slice %arg6[%dma_start3A_42, %dma_start3A_43] : memref<256x128xf32, #tpu.memory_space<vmem>> -> memref<32x128xf32, #tpu.memory_space<vmem>>
    %dma_start3A_45 = arith.constant 0 : i32
    %dma_start3A_46 = tpu.memref_slice %arg5[%dma_start3A_45] : memref<256xi32, #tpu.memory_space<vmem>> -> memref<32xi32, #tpu.memory_space<vmem>>
    %dma_start3A_47 = arith.constant 0 : i32
    %dma_start3A_48 = arith.constant 0 : i32
    %dma_start3A_49 = tpu.memref_slice %arg2[%dma_start3A_47, %dma_start3A_48] : memref<100000x128xf32, #tpu.memory_space<hbm>> -> memref<100000x128xf32, #tpu.memory_space<hbm>>
    %dma_start3A_50 = tpu.memref_slice %arg9[%dma_start3A_41] : memref<8x!tpu.dma_semaphore, #tpu.memory_space<semaphore_mem>> -> memref<1x!tpu.dma_semaphore, #tpu.memory_space<semaphore_mem>>
    %dma_start3A_51 = tpu.memref_squeeze %dma_start3A_50 : memref<1x!tpu.dma_semaphore, #tpu.memory_space<semaphore_mem>> -> memref<!tpu.dma_semaphore, #tpu.memory_space<semaphore_mem>>
    tpu.enqueue_indirect_dma source(%dma_start3A_49 : memref<100000x128xf32, #tpu.memory_space<hbm>>) target(%dma_start3A_44 : memref<32x128xf32, #tpu.memory_space<vmem>>) offsets(%dma_start3A_46 : memref<32xi32, #tpu.memory_space<vmem>>) semaphore(%dma_start3A_51 : memref<!tpu.dma_semaphore, #tpu.memory_space<semaphore_mem>>)
    %dma_start3A_52 = arith.constant 1 : i32
    %dma_start3A_53 = arith.constant 32 : i32
    %dma_start3A_54 = arith.constant 0 : i32
    %dma_start3A_55 = tpu.memref_slice %arg6[%dma_start3A_53, %dma_start3A_54] : memref<256x128xf32, #tpu.memory_space<vmem>> -> memref<32x128xf32, #tpu.memory_space<vmem>>
    %dma_start3A_56 = arith.constant 32 : i32
    %dma_start3A_57 = tpu.memref_slice %arg5[%dma_start3A_56] : memref<256xi32, #tpu.memory_space<vmem>> -> memref<32xi32, #tpu.memory_space<vmem>>
    %dma_start3A_58 = arith.constant 0 : i32
    %dma_start3A_59 = arith.constant 0 : i32
    %dma_start3A_60 = tpu.memref_slice %arg2[%dma_start3A_58, %dma_start3A_59] : memref<100000x128xf32, #tpu.memory_space<hbm>> -> memref<100000x128xf32, #tpu.memory_space<hbm>>
    %dma_start3A_61 = tpu.memref_slice %arg9[%dma_start3A_52] : memref<8x!tpu.dma_semaphore, #tpu.memory_space<semaphore_mem>> -> memref<1x!tpu.dma_semaphore, #tpu.memory_space<semaphore_mem>>
    %dma_start3A_62 = tpu.memref_squeeze %dma_start3A_61 : memref<1x!tpu.dma_semaphore, #tpu.memory_space<semaphore_mem>> -> memref<!tpu.dma_semaphore, #tpu.memory_space<semaphore_mem>>
    tpu.enqueue_indirect_dma source(%dma_start3A_60 : memref<100000x128xf32, #tpu.memory_space<hbm>>) target(%dma_start3A_55 : memref<32x128xf32, #tpu.memory_space<vmem>>) offsets(%dma_start3A_57 : memref<32xi32, #tpu.memory_space<vmem>>) semaphore(%dma_start3A_62 : memref<!tpu.dma_semaphore, #tpu.memory_space<semaphore_mem>>)
    %dma_start3A_63 = arith.constant 2 : i32
    %dma_start3A_64 = arith.constant 64 : i32
    %dma_start3A_65 = arith.constant 0 : i32
    %dma_start3A_66 = tpu.memref_slice %arg6[%dma_start3A_64, %dma_start3A_65] : memref<256x128xf32, #tpu.memory_space<vmem>> -> memref<32x128xf32, #tpu.memory_space<vmem>>
    %dma_start3A_67 = arith.constant 64 : i32
    %dma_start3A_68 = tpu.memref_slice %arg5[%dma_start3A_67] : memref<256xi32, #tpu.memory_space<vmem>> -> memref<32xi32, #tpu.memory_space<vmem>>
    %dma_start3A_69 = arith.constant 0 : i32
    %dma_start3A_70 = arith.constant 0 : i32
    %dma_start3A_71 = tpu.memref_slice %arg2[%dma_start3A_69, %dma_start3A_70] : memref<100000x128xf32, #tpu.memory_space<hbm>> -> memref<100000x128xf32, #tpu.memory_space<hbm>>
    %dma_start3A_72 = tpu.memref_slice %arg9[%dma_start3A_63] : memref<8x!tpu.dma_semaphore, #tpu.memory_space<semaphore_mem>> -> memref<1x!tpu.dma_semaphore, #tpu.memory_space<semaphore_mem>>
    %dma_start3A_73 = tpu.memref_squeeze %dma_start3A_72 : memref<1x!tpu.dma_semaphore, #tpu.memory_space<semaphore_mem>> -> memref<!tpu.dma_semaphore, #tpu.memory_space<semaphore_mem>>
    tpu.enqueue_indirect_dma source(%dma_start3A_71 : memref<100000x128xf32, #tpu.memory_space<hbm>>) target(%dma_start3A_66 : memref<32x128xf32, #tpu.memory_space<vmem>>) offsets(%dma_start3A_68 : memref<32xi32, #tpu.memory_space<vmem>>) semaphore(%dma_start3A_73 : memref<!tpu.dma_semaphore, #tpu.memory_space<semaphore_mem>>)
    %dma_start3A_74 = arith.constant 3 : i32
    %dma_start3A_75 = arith.constant 96 : i32
    %dma_start3A_76 = arith.constant 0 : i32
    %dma_start3A_77 = tpu.memref_slice %arg6[%dma_start3A_75, %dma_start3A_76] : memref<256x128xf32, #tpu.memory_space<vmem>> -> memref<32x128xf32, #tpu.memory_space<vmem>>
    %dma_start3A_78 = arith.constant 96 : i32
    %dma_start3A_79 = tpu.memref_slice %arg5[%dma_start3A_78] : memref<256xi32, #tpu.memory_space<vmem>> -> memref<32xi32, #tpu.memory_space<vmem>>
    %dma_start3A_80 = arith.constant 0 : i32
    %dma_start3A_81 = arith.constant 0 : i32
    %dma_start3A_82 = tpu.memref_slice %arg2[%dma_start3A_80, %dma_start3A_81] : memref<100000x128xf32, #tpu.memory_space<hbm>> -> memref<100000x128xf32, #tpu.memory_space<hbm>>
    %dma_start3A_83 = tpu.memref_slice %arg9[%dma_start3A_74] : memref<8x!tpu.dma_semaphore, #tpu.memory_space<semaphore_mem>> -> memref<1x!tpu.dma_semaphore, #tpu.memory_space<semaphore_mem>>
    %dma_start3A_84 = tpu.memref_squeeze %dma_start3A_83 : memref<1x!tpu.dma_semaphore, #tpu.memory_space<semaphore_mem>> -> memref<!tpu.dma_semaphore, #tpu.memory_space<semaphore_mem>>
    tpu.enqueue_indirect_dma source(%dma_start3A_82 : memref<100000x128xf32, #tpu.memory_space<hbm>>) target(%dma_start3A_77 : memref<32x128xf32, #tpu.memory_space<vmem>>) offsets(%dma_start3A_79 : memref<32xi32, #tpu.memory_space<vmem>>) semaphore(%dma_start3A_84 : memref<!tpu.dma_semaphore, #tpu.memory_space<semaphore_mem>>)
    %dma_start3A_85 = arith.constant 4 : i32
    %dma_start3A_86 = arith.constant 128 : i32
    %dma_start3A_87 = arith.constant 0 : i32
    %dma_start3A_88 = tpu.memref_slice %arg6[%dma_start3A_86, %dma_start3A_87] : memref<256x128xf32, #tpu.memory_space<vmem>> -> memref<32x128xf32, #tpu.memory_space<vmem>>
    %dma_start3A_89 = arith.constant 128 : i32
    %dma_start3A_90 = tpu.memref_slice %arg5[%dma_start3A_89] : memref<256xi32, #tpu.memory_space<vmem>> -> memref<32xi32, #tpu.memory_space<vmem>>
    %dma_start3A_91 = arith.constant 0 : i32
    %dma_start3A_92 = arith.constant 0 : i32
    %dma_start3A_93 = tpu.memref_slice %arg2[%dma_start3A_91, %dma_start3A_92] : memref<100000x128xf32, #tpu.memory_space<hbm>> -> memref<100000x128xf32, #tpu.memory_space<hbm>>
    %dma_start3A_94 = tpu.memref_slice %arg9[%dma_start3A_85] : memref<8x!tpu.dma_semaphore, #tpu.memory_space<semaphore_mem>> -> memref<1x!tpu.dma_semaphore, #tpu.memory_space<semaphore_mem>>
    %dma_start3A_95 = tpu.memref_squeeze %dma_start3A_94 : memref<1x!tpu.dma_semaphore, #tpu.memory_space<semaphore_mem>> -> memref<!tpu.dma_semaphore, #tpu.memory_space<semaphore_mem>>
    tpu.enqueue_indirect_dma source(%dma_start3A_93 : memref<100000x128xf32, #tpu.memory_space<hbm>>) target(%dma_start3A_88 : memref<32x128xf32, #tpu.memory_space<vmem>>) offsets(%dma_start3A_90 : memref<32xi32, #tpu.memory_space<vmem>>) semaphore(%dma_start3A_95 : memref<!tpu.dma_semaphore, #tpu.memory_space<semaphore_mem>>)
    %dma_start3A_96 = arith.constant 5 : i32
    %dma_start3A_97 = arith.constant 160 : i32
    %dma_start3A_98 = arith.constant 0 : i32
    %dma_start3A_99 = tpu.memref_slice %arg6[%dma_start3A_97, %dma_start3A_98] : memref<256x128xf32, #tpu.memory_space<vmem>> -> memref<32x128xf32, #tpu.memory_space<vmem>>
    %dma_start3A_100 = arith.constant 160 : i32
    %dma_start3A_101 = tpu.memref_slice %arg5[%dma_start3A_100] : memref<256xi32, #tpu.memory_space<vmem>> -> memref<32xi32, #tpu.memory_space<vmem>>
    %dma_start3A_102 = arith.constant 0 : i32
    %dma_start3A_103 = arith.constant 0 : i32
    %dma_start3A_104 = tpu.memref_slice %arg2[%dma_start3A_102, %dma_start3A_103] : memref<100000x128xf32, #tpu.memory_space<hbm>> -> memref<100000x128xf32, #tpu.memory_space<hbm>>
    %dma_start3A_105 = tpu.memref_slice %arg9[%dma_start3A_96] : memref<8x!tpu.dma_semaphore, #tpu.memory_space<semaphore_mem>> -> memref<1x!tpu.dma_semaphore, #tpu.memory_space<semaphore_mem>>
    %dma_start3A_106 = tpu.memref_squeeze %dma_start3A_105 : memref<1x!tpu.dma_semaphore, #tpu.memory_space<semaphore_mem>> -> memref<!tpu.dma_semaphore, #tpu.memory_space<semaphore_mem>>
    tpu.enqueue_indirect_dma source(%dma_start3A_104 : memref<100000x128xf32, #tpu.memory_space<hbm>>) target(%dma_start3A_99 : memref<32x128xf32, #tpu.memory_space<vmem>>) offsets(%dma_start3A_101 : memref<32xi32, #tpu.memory_space<vmem>>) semaphore(%dma_start3A_106 : memref<!tpu.dma_semaphore, #tpu.memory_space<semaphore_mem>>)
    %dma_start3A_107 = arith.constant 6 : i32
    %dma_start3A_108 = arith.constant 192 : i32
    %dma_start3A_109 = arith.constant 0 : i32
    %dma_start3A_110 = tpu.memref_slice %arg6[%dma_start3A_108, %dma_start3A_109] : memref<256x128xf32, #tpu.memory_space<vmem>> -> memref<32x128xf32, #tpu.memory_space<vmem>>
    %dma_start3A_111 = arith.constant 192 : i32
    %dma_start3A_112 = tpu.memref_slice %arg5[%dma_start3A_111] : memref<256xi32, #tpu.memory_space<vmem>> -> memref<32xi32, #tpu.memory_space<vmem>>
    %dma_start3A_113 = arith.constant 0 : i32
    %dma_start3A_114 = arith.constant 0 : i32
    %dma_start3A_115 = tpu.memref_slice %arg2[%dma_start3A_113, %dma_start3A_114] : memref<100000x128xf32, #tpu.memory_space<hbm>> -> memref<100000x128xf32, #tpu.memory_space<hbm>>
    %dma_start3A_116 = tpu.memref_slice %arg9[%dma_start3A_107] : memref<8x!tpu.dma_semaphore, #tpu.memory_space<semaphore_mem>> -> memref<1x!tpu.dma_semaphore, #tpu.memory_space<semaphore_mem>>
    %dma_start3A_117 = tpu.memref_squeeze %dma_start3A_116 : memref<1x!tpu.dma_semaphore, #tpu.memory_space<semaphore_mem>> -> memref<!tpu.dma_semaphore, #tpu.memory_space<semaphore_mem>>
    tpu.enqueue_indirect_dma source(%dma_start3A_115 : memref<100000x128xf32, #tpu.memory_space<hbm>>) target(%dma_start3A_110 : memref<32x128xf32, #tpu.memory_space<vmem>>) offsets(%dma_start3A_112 : memref<32xi32, #tpu.memory_space<vmem>>) semaphore(%dma_start3A_117 : memref<!tpu.dma_semaphore, #tpu.memory_space<semaphore_mem>>)
    %dma_start3A_118 = arith.constant 7 : i32
    %dma_start3A_119 = arith.constant 224 : i32
    %dma_start3A_120 = arith.constant 0 : i32
    %dma_start3A_121 = tpu.memref_slice %arg6[%dma_start3A_119, %dma_start3A_120] : memref<256x128xf32, #tpu.memory_space<vmem>> -> memref<32x128xf32, #tpu.memory_space<vmem>>
    %dma_start3A_122 = arith.constant 224 : i32
    %dma_start3A_123 = tpu.memref_slice %arg5[%dma_start3A_122] : memref<256xi32, #tpu.memory_space<vmem>> -> memref<32xi32, #tpu.memory_space<vmem>>
    %dma_start3A_124 = arith.constant 0 : i32
    %dma_start3A_125 = arith.constant 0 : i32
    %dma_start3A_126 = tpu.memref_slice %arg2[%dma_start3A_124, %dma_start3A_125] : memref<100000x128xf32, #tpu.memory_space<hbm>> -> memref<100000x128xf32, #tpu.memory_space<hbm>>
    %dma_start3A_127 = tpu.memref_slice %arg9[%dma_start3A_118] : memref<8x!tpu.dma_semaphore, #tpu.memory_space<semaphore_mem>> -> memref<1x!tpu.dma_semaphore, #tpu.memory_space<semaphore_mem>>
    %dma_start3A_128 = tpu.memref_squeeze %dma_start3A_127 : memref<1x!tpu.dma_semaphore, #tpu.memory_space<semaphore_mem>> -> memref<!tpu.dma_semaphore, #tpu.memory_space<semaphore_mem>>
    tpu.enqueue_indirect_dma source(%dma_start3A_126 : memref<100000x128xf32, #tpu.memory_space<hbm>>) target(%dma_start3A_121 : memref<32x128xf32, #tpu.memory_space<vmem>>) offsets(%dma_start3A_123 : memref<32xi32, #tpu.memory_space<vmem>>) semaphore(%dma_start3A_128 : memref<!tpu.dma_semaphore, #tpu.memory_space<semaphore_mem>>)
    %dma_wait3A_129 = arith.constant 0 : i32
    %dma_wait3A_130 = arith.constant 0 : i32
    %dma_wait3A_131 = arith.constant 0 : i32
    %dma_wait3A_132 = tpu.memref_slice %arg6[%dma_wait3A_130, %dma_wait3A_131] : memref<256x128xf32, #tpu.memory_space<vmem>> -> memref<32x128xf32, #tpu.memory_space<vmem>>
    %dma_wait3A_133 = arith.constant 0 : i32
    %dma_wait3A_134 = tpu.memref_slice %arg5[%dma_wait3A_133] : memref<256xi32, #tpu.memory_space<vmem>> -> memref<32xi32, #tpu.memory_space<vmem>>
    %dma_wait3A_135 = arith.constant 0 : i32
    %dma_wait3A_136 = arith.constant 0 : i32
    %dma_wait3A_137 = tpu.memref_slice %arg2[%dma_wait3A_135, %dma_wait3A_136] : memref<100000x128xf32, #tpu.memory_space<hbm>> -> memref<100000x128xf32, #tpu.memory_space<hbm>>
    %dma_wait3A_138 = tpu.memref_slice %arg9[%dma_wait3A_129] : memref<8x!tpu.dma_semaphore, #tpu.memory_space<semaphore_mem>> -> memref<1x!tpu.dma_semaphore, #tpu.memory_space<semaphore_mem>>
    %dma_wait3A_139 = tpu.memref_squeeze %dma_wait3A_138 : memref<1x!tpu.dma_semaphore, #tpu.memory_space<semaphore_mem>> -> memref<!tpu.dma_semaphore, #tpu.memory_space<semaphore_mem>>
    tpu.wait_indirect_dma semaphore(%dma_wait3A_139 : memref<!tpu.dma_semaphore, #tpu.memory_space<semaphore_mem>>) src(%dma_wait3A_137 : memref<100000x128xf32, #tpu.memory_space<hbm>>) dst(%dma_wait3A_132 : memref<32x128xf32, #tpu.memory_space<vmem>>)
    %scan3A = arith.constant 0 : i32
    %scan3A_140 = arith.constant 32 : i32
    %scan3A_141 = arith.addi %scan3A, %scan3A_140 : i32
    %scan3A_142 = arith.constant 1 : i32
    scf.for %scan3A_432 = %scan3A to %scan3A_141 step %scan3A_142  : i32 {
      %mul3A_433 = arith.constant 1 : i32
      %mul3A_434 = arith.muli %scan3A_432, %mul3A_433 : i32
      %add3A_435 = arith.constant 0 : i32
      %add3A_436 = arith.addi %add3A_435, %mul3A_434 : i32
      %get3A = arith.index_cast %add3A_436 : i32 to index
      %get3A_437 = arith.constant 0 : index
      %get3A_438 = tpu.vector_load %arg6[%get3A, %get3A_437] {strides = array<i32>} : memref<256x128xf32, #tpu.memory_space<vmem>>, vector<1x16xf32>,
      %get3A_439 = vector.shape_cast %get3A_438 : vector<1x16xf32> to vector<1x16xf32>
      %mul3A_440 = arith.constant 11.3137083 : f32
      %mul3A_441 = vector.broadcast %mul3A_440 : f32 to vector<1x16xf32>
      %mul3A_442 = arith.mulf %get3A_439, %mul3A_441 : vector<1x16xf32>
      %swap3A = arith.index_cast %add3A_436 : i32 to index
      %swap3A_443 = arith.constant 0 : index
      %swap3A_444 = tpu.vector_load %arg7[%swap3A, %swap3A_443] {strides = array<i32>} : memref<256x128xf32, #tpu.memory_space<vmem>>, vector<1x16xf32>,
      %swap3A_445 = vector.shape_cast %swap3A_444 : vector<1x16xf32> to vector<1x16xf32>
      %swap3A_446 = vector.shape_cast %mul3A_442 : vector<1x16xf32> to vector<1x16xf32>
      tpu.vector_store %arg7[%swap3A, %swap3A_443], %swap3A_446 {add = true, strides = array<i32>} : memref<256x128xf32, #tpu.memory_space<vmem>>, vector<1x16xf32>,
      %get3A_447 = arith.index_cast %add3A_436 : i32 to index
      %get3A_448 = arith.constant 16 : index
      %get3A_449 = tpu.vector_load %arg6[%get3A_447, %get3A_448] {strides = array<i32>} : memref<256x128xf32, #tpu.memory_space<vmem>>, vector<1x16xf32>,
      %get3A_450 = vector.shape_cast %get3A_449 : vector<1x16xf32> to vector<1x16xf32>
      %mul3A_451 = arith.constant 11.3137083 : f32
      %mul3A_452 = vector.broadcast %mul3A_451 : f32 to vector<1x16xf32>
      %mul3A_453 = arith.mulf %get3A_450, %mul3A_452 : vector<1x16xf32>
      %swap3A_454 = arith.index_cast %add3A_436 : i32 to index
      %swap3A_455 = arith.constant 16 : index
      %swap3A_456 = tpu.vector_load %arg7[%swap3A_454, %swap3A_455] {strides = array<i32>} : memref<256x128xf32, #tpu.memory_space<vmem>>, vector<1x16xf32>,
      %swap3A_457 = vector.shape_cast %swap3A_456 : vector<1x16xf32> to vector<1x16xf32>
      %swap3A_458 = vector.shape_cast %mul3A_453 : vector<1x16xf32> to vector<1x16xf32>
      tpu.vector_store %arg7[%swap3A_454, %swap3A_455], %swap3A_458 {add = true, strides = array<i32>} : memref<256x128xf32, #tpu.memory_space<vmem>>, vector<1x16xf32>,
      %get3A_459 = arith.index_cast %add3A_436 : i32 to index
      %get3A_460 = arith.constant 32 : index
      %get3A_461 = tpu.vector_load %arg6[%get3A_459, %get3A_460] {strides = array<i32>} : memref<256x128xf32, #tpu.memory_space<vmem>>, vector<1x16xf32>,
      %get3A_462 = vector.shape_cast %get3A_461 : vector<1x16xf32> to vector<1x16xf32>
      %mul3A_463 = arith.constant 11.3137083 : f32
      %mul3A_464 = vector.broadcast %mul3A_463 : f32 to vector<1x16xf32>
      %mul3A_465 = arith.mulf %get3A_462, %mul3A_464 : vector<1x16xf32>
      %swap3A_466 = arith.index_cast %add3A_436 : i32 to index
      %swap3A_467 = arith.constant 32 : index
      %swap3A_468 = tpu.vector_load %arg7[%swap3A_466, %swap3A_467] {strides = array<i32>} : memref<256x128xf32, #tpu.memory_space<vmem>>, vector<1x16xf32>,
      %swap3A_469 = vector.shape_cast %swap3A_468 : vector<1x16xf32> to vector<1x16xf32>
      %swap3A_470 = vector.shape_cast %mul3A_465 : vector<1x16xf32> to vector<1x16xf32>
      tpu.vector_store %arg7[%swap3A_466, %swap3A_467], %swap3A_470 {add = true, strides = array<i32>} : memref<256x128xf32, #tpu.memory_space<vmem>>, vector<1x16xf32>,
      %get3A_471 = arith.index_cast %add3A_436 : i32 to index
      %get3A_472 = arith.constant 48 : index
      %get3A_473 = tpu.vector_load %arg6[%get3A_471, %get3A_472] {strides = array<i32>} : memref<256x128xf32, #tpu.memory_space<vmem>>, vector<1x16xf32>,
      %get3A_474 = vector.shape_cast %get3A_473 : vector<1x16xf32> to vector<1x16xf32>
      %mul3A_475 = arith.constant 11.3137083 : f32
      %mul3A_476 = vector.broadcast %mul3A_475 : f32 to vector<1x16xf32>
      %mul3A_477 = arith.mulf %get3A_474, %mul3A_476 : vector<1x16xf32>
      %swap3A_478 = arith.index_cast %add3A_436 : i32 to index
      %swap3A_479 = arith.constant 48 : index
      %swap3A_480 = tpu.vector_load %arg7[%swap3A_478, %swap3A_479] {strides = array<i32>} : memref<256x128xf32, #tpu.memory_space<vmem>>, vector<1x16xf32>,
      %swap3A_481 = vector.shape_cast %swap3A_480 : vector<1x16xf32> to vector<1x16xf32>
      %swap3A_482 = vector.shape_cast %mul3A_477 : vector<1x16xf32> to vector<1x16xf32>
      tpu.vector_store %arg7[%swap3A_478, %swap3A_479], %swap3A_482 {add = true, strides = array<i32>} : memref<256x128xf32, #tpu.memory_space<vmem>>, vector<1x16xf32>,
      %get3A_483 = arith.index_cast %add3A_436 : i32 to index
      %get3A_484 = arith.constant 64 : index
      %get3A_485 = tpu.vector_load %arg6[%get3A_483, %get3A_484] {strides = array<i32>} : memref<256x128xf32, #tpu.memory_space<vmem>>, vector<1x16xf32>,
      %get3A_486 = vector.shape_cast %get3A_485 : vector<1x16xf32> to vector<1x16xf32>
      %mul3A_487 = arith.constant 11.3137083 : f32
      %mul3A_488 = vector.broadcast %mul3A_487 : f32 to vector<1x16xf32>
      %mul3A_489 = arith.mulf %get3A_486, %mul3A_488 : vector<1x16xf32>
      %swap3A_490 = arith.index_cast %add3A_436 : i32 to index
      %swap3A_491 = arith.constant 64 : index
      %swap3A_492 = tpu.vector_load %arg7[%swap3A_490, %swap3A_491] {strides = array<i32>} : memref<256x128xf32, #tpu.memory_space<vmem>>, vector<1x16xf32>,
      %swap3A_493 = vector.shape_cast %swap3A_492 : vector<1x16xf32> to vector<1x16xf32>
      %swap3A_494 = vector.shape_cast %mul3A_489 : vector<1x16xf32> to vector<1x16xf32>
      tpu.vector_store %arg7[%swap3A_490, %swap3A_491], %swap3A_494 {add = true, strides = array<i32>} : memref<256x128xf32, #tpu.memory_space<vmem>>, vector<1x16xf32>,
      %get3A_495 = arith.index_cast %add3A_436 : i32 to index
      %get3A_496 = arith.constant 80 : index
      %get3A_497 = tpu.vector_load %arg6[%get3A_495, %get3A_496] {strides = array<i32>} : memref<256x128xf32, #tpu.memory_space<vmem>>, vector<1x16xf32>,
      %get3A_498 = vector.shape_cast %get3A_497 : vector<1x16xf32> to vector<1x16xf32>
      %mul3A_499 = arith.constant 11.3137083 : f32
      %mul3A_500 = vector.broadcast %mul3A_499 : f32 to vector<1x16xf32>
      %mul3A_501 = arith.mulf %get3A_498, %mul3A_500 : vector<1x16xf32>
      %swap3A_502 = arith.index_cast %add3A_436 : i32 to index
      %swap3A_503 = arith.constant 80 : index
      %swap3A_504 = tpu.vector_load %arg7[%swap3A_502, %swap3A_503] {strides = array<i32>} : memref<256x128xf32, #tpu.memory_space<vmem>>, vector<1x16xf32>,
      %swap3A_505 = vector.shape_cast %swap3A_504 : vector<1x16xf32> to vector<1x16xf32>
      %swap3A_506 = vector.shape_cast %mul3A_501 : vector<1x16xf32> to vector<1x16xf32>
      tpu.vector_store %arg7[%swap3A_502, %swap3A_503], %swap3A_506 {add = true, strides = array<i32>} : memref<256x128xf32, #tpu.memory_space<vmem>>, vector<1x16xf32>,
      %get3A_507 = arith.index_cast %add3A_436 : i32 to index
      %get3A_508 = arith.constant 96 : index
      %get3A_509 = tpu.vector_load %arg6[%get3A_507, %get3A_508] {strides = array<i32>} : memref<256x128xf32, #tpu.memory_space<vmem>>, vector<1x16xf32>,
      %get3A_510 = vector.shape_cast %get3A_509 : vector<1x16xf32> to vector<1x16xf32>
      %mul3A_511 = arith.constant 11.3137083 : f32
      %mul3A_512 = vector.broadcast %mul3A_511 : f32 to vector<1x16xf32>
      %mul3A_513 = arith.mulf %get3A_510, %mul3A_512 : vector<1x16xf32>
      %swap3A_514 = arith.index_cast %add3A_436 : i32 to index
      %swap3A_515 = arith.constant 96 : index
      %swap3A_516 = tpu.vector_load %arg7[%swap3A_514, %swap3A_515] {strides = array<i32>} : memref<256x128xf32, #tpu.memory_space<vmem>>, vector<1x16xf32>,
      %swap3A_517 = vector.shape_cast %swap3A_516 : vector<1x16xf32> to vector<1x16xf32>
      %swap3A_518 = vector.shape_cast %mul3A_513 : vector<1x16xf32> to vector<1x16xf32>
      tpu.vector_store %arg7[%swap3A_514, %swap3A_515], %swap3A_518 {add = true, strides = array<i32>} : memref<256x128xf32, #tpu.memory_space<vmem>>, vector<1x16xf32>,
      %get3A_519 = arith.index_cast %add3A_436 : i32 to index
      %get3A_520 = arith.constant 112 : index
      %get3A_521 = tpu.vector_load %arg6[%get3A_519, %get3A_520] {strides = array<i32>} : memref<256x128xf32, #tpu.memory_space<vmem>>, vector<1x16xf32>,
      %get3A_522 = vector.shape_cast %get3A_521 : vector<1x16xf32> to vector<1x16xf32>
      %mul3A_523 = arith.constant 11.3137083 : f32
      %mul3A_524 = vector.broadcast %mul3A_523 : f32 to vector<1x16xf32>
      %mul3A_525 = arith.mulf %get3A_522, %mul3A_524 : vector<1x16xf32>
      %swap3A_526 = arith.index_cast %add3A_436 : i32 to index
      %swap3A_527 = arith.constant 112 : index
      %swap3A_528 = tpu.vector_load %arg7[%swap3A_526, %swap3A_527] {strides = array<i32>} : memref<256x128xf32, #tpu.memory_space<vmem>>, vector<1x16xf32>,
      %swap3A_529 = vector.shape_cast %swap3A_528 : vector<1x16xf32> to vector<1x16xf32>
      %swap3A_530 = vector.shape_cast %mul3A_525 : vector<1x16xf32> to vector<1x16xf32>
      tpu.vector_store %arg7[%swap3A_526, %swap3A_527], %swap3A_530 {add = true, strides = array<i32>} : memref<256x128xf32, #tpu.memory_space<vmem>>, vector<1x16xf32>,
    }
    %scan3A_143 = arith.constant 32 : i32
    %add3A_144 = arith.constant 0 : i32
    %add3A_145 = arith.addi %mul3A_34, %add3A_144 : i32
    %dma_start3A_146 = arith.constant 0 : i32
    %dma_start3A_147 = arith.constant 0 : i32
    %dma_start3A_148 = tpu.memref_slice %arg7[%dma_start3A_146, %dma_start3A_147] : memref<256x128xf32, #tpu.memory_space<vmem>> -> memref<32x128xf32, #tpu.memory_space<vmem>>
    %dma_start3A_149 = arith.constant 0 : i32
    %dma_start3A_150 = tpu.memref_slice %arg4[%add3A_145, %dma_start3A_149] : memref<8192x128xf32, #tpu.memory_space<hbm>> -> memref<32x128xf32, #tpu.memory_space<hbm>>
    %dma_start3A_151 = arith.constant 0 : i32
    %dma_start3A_152 = tpu.memref_slice %arg4[%add3A_145, %dma_start3A_151] : memref<8192x128xf32, #tpu.memory_space<hbm>> -> memref<32x128xf32, #tpu.memory_space<hbm>>
    %dma_start3A_153 = arith.constant 0 : i32
    %dma_start3A_154 = arith.constant 0 : i32
    %dma_start3A_155 = tpu.memref_slice %arg7[%dma_start3A_153, %dma_start3A_154] : memref<256x128xf32, #tpu.memory_space<vmem>> -> memref<32x128xf32, #tpu.memory_space<vmem>>
    tpu.enqueue_dma source(%dma_start3A_155 : memref<32x128xf32, #tpu.memory_space<vmem>>) target(%dma_start3A_152 : memref<32x128xf32, #tpu.memory_space<hbm>>) target_semaphore(%arg11 : memref<!tpu.dma_semaphore, #tpu.memory_space<semaphore_mem>>)
    %dma_wait3A_156 = arith.constant 1 : i32
    %dma_wait3A_157 = arith.constant 32 : i32
    %dma_wait3A_158 = arith.constant 0 : i32
    %dma_wait3A_159 = tpu.memref_slice %arg6[%dma_wait3A_157, %dma_wait3A_158] : memref<256x128xf32, #tpu.memory_space<vmem>> -> memref<32x128xf32, #tpu.memory_space<vmem>>
    %dma_wait3A_160 = arith.constant 32 : i32
    %dma_wait3A_161 = tpu.memref_slice %arg5[%dma_wait3A_160] : memref<256xi32, #tpu.memory_space<vmem>> -> memref<32xi32, #tpu.memory_space<vmem>>
    %dma_wait3A_162 = arith.constant 0 : i32
    %dma_wait3A_163 = arith.constant 0 : i32
    %dma_wait3A_164 = tpu.memref_slice %arg2[%dma_wait3A_162, %dma_wait3A_163] : memref<100000x128xf32, #tpu.memory_space<hbm>> -> memref<100000x128xf32, #tpu.memory_space<hbm>>
    %dma_wait3A_165 = tpu.memref_slice %arg9[%dma_wait3A_156] : memref<8x!tpu.dma_semaphore, #tpu.memory_space<semaphore_mem>> -> memref<1x!tpu.dma_semaphore, #tpu.memory_space<semaphore_mem>>
    %dma_wait3A_166 = tpu.memref_squeeze %dma_wait3A_165 : memref<1x!tpu.dma_semaphore, #tpu.memory_space<semaphore_mem>> -> memref<!tpu.dma_semaphore, #tpu.memory_space<semaphore_mem>>
    tpu.wait_indirect_dma semaphore(%dma_wait3A_166 : memref<!tpu.dma_semaphore, #tpu.memory_space<semaphore_mem>>) src(%dma_wait3A_164 : memref<100000x128xf32, #tpu.memory_space<hbm>>) dst(%dma_wait3A_159 : memref<32x128xf32, #tpu.memory_space<vmem>>)
    %scan3A_167 = arith.constant 0 : i32
    %scan3A_168 = arith.constant 32 : i32
    %scan3A_169 = arith.addi %scan3A_167, %scan3A_168 : i32
    %scan3A_170 = arith.constant 1 : i32
    scf.for %scan3A_432 = %scan3A_167 to %scan3A_169 step %scan3A_170  : i32 {
      %mul3A_433 = arith.constant 1 : i32
      %mul3A_434 = arith.muli %scan3A_432, %mul3A_433 : i32
      %add3A_435 = arith.constant 32 : i32
      %add3A_436 = arith.addi %add3A_435, %mul3A_434 : i32
      %get3A = arith.index_cast %add3A_436 : i32 to index
      %get3A_437 = arith.constant 0 : index
      %get3A_438 = tpu.vector_load %arg6[%get3A, %get3A_437] {strides = array<i32>} : memref<256x128xf32, #tpu.memory_space<vmem>>, vector<1x16xf32>,
      %get3A_439 = vector.shape_cast %get3A_438 : vector<1x16xf32> to vector<1x16xf32>
      %mul3A_440 = arith.constant 11.3137083 : f32
      %mul3A_441 = vector.broadcast %mul3A_440 : f32 to vector<1x16xf32>
      %mul3A_442 = arith.mulf %get3A_439, %mul3A_441 : vector<1x16xf32>
      %swap3A = arith.index_cast %add3A_436 : i32 to index
      %swap3A_443 = arith.constant 0 : index
      %swap3A_444 = tpu.vector_load %arg7[%swap3A, %swap3A_443] {strides = array<i32>} : memref<256x128xf32, #tpu.memory_space<vmem>>, vector<1x16xf32>,
      %swap3A_445 = vector.shape_cast %swap3A_444 : vector<1x16xf32> to vector<1x16xf32>
      %swap3A_446 = vector.shape_cast %mul3A_442 : vector<1x16xf32> to vector<1x16xf32>
      tpu.vector_store %arg7[%swap3A, %swap3A_443], %swap3A_446 {add = true, strides = array<i32>} : memref<256x128xf32, #tpu.memory_space<vmem>>, vector<1x16xf32>,
      %get3A_447 = arith.index_cast %add3A_436 : i32 to index
      %get3A_448 = arith.constant 16 : index
      %get3A_449 = tpu.vector_load %arg6[%get3A_447, %get3A_448] {strides = array<i32>} : memref<256x128xf32, #tpu.memory_space<vmem>>, vector<1x16xf32>,
      %get3A_450 = vector.shape_cast %get3A_449 : vector<1x16xf32> to vector<1x16xf32>
      %mul3A_451 = arith.constant 11.3137083 : f32
      %mul3A_452 = vector.broadcast %mul3A_451 : f32 to vector<1x16xf32>
      %mul3A_453 = arith.mulf %get3A_450, %mul3A_452 : vector<1x16xf32>
      %swap3A_454 = arith.index_cast %add3A_436 : i32 to index
      %swap3A_455 = arith.constant 16 : index
      %swap3A_456 = tpu.vector_load %arg7[%swap3A_454, %swap3A_455] {strides = array<i32>} : memref<256x128xf32, #tpu.memory_space<vmem>>, vector<1x16xf32>,
      %swap3A_457 = vector.shape_cast %swap3A_456 : vector<1x16xf32> to vector<1x16xf32>
      %swap3A_458 = vector.shape_cast %mul3A_453 : vector<1x16xf32> to vector<1x16xf32>
      tpu.vector_store %arg7[%swap3A_454, %swap3A_455], %swap3A_458 {add = true, strides = array<i32>} : memref<256x128xf32, #tpu.memory_space<vmem>>, vector<1x16xf32>,
      %get3A_459 = arith.index_cast %add3A_436 : i32 to index
      %get3A_460 = arith.constant 32 : index
      %get3A_461 = tpu.vector_load %arg6[%get3A_459, %get3A_460] {strides = array<i32>} : memref<256x128xf32, #tpu.memory_space<vmem>>, vector<1x16xf32>,
      %get3A_462 = vector.shape_cast %get3A_461 : vector<1x16xf32> to vector<1x16xf32>
      %mul3A_463 = arith.constant 11.3137083 : f32
      %mul3A_464 = vector.broadcast %mul3A_463 : f32 to vector<1x16xf32>
      %mul3A_465 = arith.mulf %get3A_462, %mul3A_464 : vector<1x16xf32>
      %swap3A_466 = arith.index_cast %add3A_436 : i32 to index
      %swap3A_467 = arith.constant 32 : index
      %swap3A_468 = tpu.vector_load %arg7[%swap3A_466, %swap3A_467] {strides = array<i32>} : memref<256x128xf32, #tpu.memory_space<vmem>>, vector<1x16xf32>,
      %swap3A_469 = vector.shape_cast %swap3A_468 : vector<1x16xf32> to vector<1x16xf32>
      %swap3A_470 = vector.shape_cast %mul3A_465 : vector<1x16xf32> to vector<1x16xf32>
      tpu.vector_store %arg7[%swap3A_466, %swap3A_467], %swap3A_470 {add = true, strides = array<i32>} : memref<256x128xf32, #tpu.memory_space<vmem>>, vector<1x16xf32>,
      %get3A_471 = arith.index_cast %add3A_436 : i32 to index
      %get3A_472 = arith.constant 48 : index
      %get3A_473 = tpu.vector_load %arg6[%get3A_471, %get3A_472] {strides = array<i32>} : memref<256x128xf32, #tpu.memory_space<vmem>>, vector<1x16xf32>,
      %get3A_474 = vector.shape_cast %get3A_473 : vector<1x16xf32> to vector<1x16xf32>
      %mul3A_475 = arith.constant 11.3137083 : f32
      %mul3A_476 = vector.broadcast %mul3A_475 : f32 to vector<1x16xf32>
      %mul3A_477 = arith.mulf %get3A_474, %mul3A_476 : vector<1x16xf32>
      %swap3A_478 = arith.index_cast %add3A_436 : i32 to index
      %swap3A_479 = arith.constant 48 : index
      %swap3A_480 = tpu.vector_load %arg7[%swap3A_478, %swap3A_479] {strides = array<i32>} : memref<256x128xf32, #tpu.memory_space<vmem>>, vector<1x16xf32>,
      %swap3A_481 = vector.shape_cast %swap3A_480 : vector<1x16xf32> to vector<1x16xf32>
      %swap3A_482 = vector.shape_cast %mul3A_477 : vector<1x16xf32> to vector<1x16xf32>
      tpu.vector_store %arg7[%swap3A_478, %swap3A_479], %swap3A_482 {add = true, strides = array<i32>} : memref<256x128xf32, #tpu.memory_space<vmem>>, vector<1x16xf32>,
      %get3A_483 = arith.index_cast %add3A_436 : i32 to index
      %get3A_484 = arith.constant 64 : index
      %get3A_485 = tpu.vector_load %arg6[%get3A_483, %get3A_484] {strides = array<i32>} : memref<256x128xf32, #tpu.memory_space<vmem>>, vector<1x16xf32>,
      %get3A_486 = vector.shape_cast %get3A_485 : vector<1x16xf32> to vector<1x16xf32>
      %mul3A_487 = arith.constant 11.3137083 : f32
      %mul3A_488 = vector.broadcast %mul3A_487 : f32 to vector<1x16xf32>
      %mul3A_489 = arith.mulf %get3A_486, %mul3A_488 : vector<1x16xf32>
      %swap3A_490 = arith.index_cast %add3A_436 : i32 to index
      %swap3A_491 = arith.constant 64 : index
      %swap3A_492 = tpu.vector_load %arg7[%swap3A_490, %swap3A_491] {strides = array<i32>} : memref<256x128xf32, #tpu.memory_space<vmem>>, vector<1x16xf32>,
      %swap3A_493 = vector.shape_cast %swap3A_492 : vector<1x16xf32> to vector<1x16xf32>
      %swap3A_494 = vector.shape_cast %mul3A_489 : vector<1x16xf32> to vector<1x16xf32>
      tpu.vector_store %arg7[%swap3A_490, %swap3A_491], %swap3A_494 {add = true, strides = array<i32>} : memref<256x128xf32, #tpu.memory_space<vmem>>, vector<1x16xf32>,
      %get3A_495 = arith.index_cast %add3A_436 : i32 to index
      %get3A_496 = arith.constant 80 : index
      %get3A_497 = tpu.vector_load %arg6[%get3A_495, %get3A_496] {strides = array<i32>} : memref<256x128xf32, #tpu.memory_space<vmem>>, vector<1x16xf32>,
      %get3A_498 = vector.shape_cast %get3A_497 : vector<1x16xf32> to vector<1x16xf32>
      %mul3A_499 = arith.constant 11.3137083 : f32
      %mul3A_500 = vector.broadcast %mul3A_499 : f32 to vector<1x16xf32>
      %mul3A_501 = arith.mulf %get3A_498, %mul3A_500 : vector<1x16xf32>
      %swap3A_502 = arith.index_cast %add3A_436 : i32 to index
      %swap3A_503 = arith.constant 80 : index
      %swap3A_504 = tpu.vector_load %arg7[%swap3A_502, %swap3A_503] {strides = array<i32>} : memref<256x128xf32, #tpu.memory_space<vmem>>, vector<1x16xf32>,
      %swap3A_505 = vector.shape_cast %swap3A_504 : vector<1x16xf32> to vector<1x16xf32>
      %swap3A_506 = vector.shape_cast %mul3A_501 : vector<1x16xf32> to vector<1x16xf32>
      tpu.vector_store %arg7[%swap3A_502, %swap3A_503], %swap3A_506 {add = true, strides = array<i32>} : memref<256x128xf32, #tpu.memory_space<vmem>>, vector<1x16xf32>,
      %get3A_507 = arith.index_cast %add3A_436 : i32 to index
      %get3A_508 = arith.constant 96 : index
      %get3A_509 = tpu.vector_load %arg6[%get3A_507, %get3A_508] {strides = array<i32>} : memref<256x128xf32, #tpu.memory_space<vmem>>, vector<1x16xf32>,
      %get3A_510 = vector.shape_cast %get3A_509 : vector<1x16xf32> to vector<1x16xf32>
      %mul3A_511 = arith.constant 11.3137083 : f32
      %mul3A_512 = vector.broadcast %mul3A_511 : f32 to vector<1x16xf32>
      %mul3A_513 = arith.mulf %get3A_510, %mul3A_512 : vector<1x16xf32>
      %swap3A_514 = arith.index_cast %add3A_436 : i32 to index
      %swap3A_515 = arith.constant 96 : index
      %swap3A_516 = tpu.vector_load %arg7[%swap3A_514, %swap3A_515] {strides = array<i32>} : memref<256x128xf32, #tpu.memory_space<vmem>>, vector<1x16xf32>,
      %swap3A_517 = vector.shape_cast %swap3A_516 : vector<1x16xf32> to vector<1x16xf32>
      %swap3A_518 = vector.shape_cast %mul3A_513 : vector<1x16xf32> to vector<1x16xf32>
      tpu.vector_store %arg7[%swap3A_514, %swap3A_515], %swap3A_518 {add = true, strides = array<i32>} : memref<256x128xf32, #tpu.memory_space<vmem>>, vector<1x16xf32>,
      %get3A_519 = arith.index_cast %add3A_436 : i32 to index
      %get3A_520 = arith.constant 112 : index
      %get3A_521 = tpu.vector_load %arg6[%get3A_519, %get3A_520] {strides = array<i32>} : memref<256x128xf32, #tpu.memory_space<vmem>>, vector<1x16xf32>,
      %get3A_522 = vector.shape_cast %get3A_521 : vector<1x16xf32> to vector<1x16xf32>
      %mul3A_523 = arith.constant 11.3137083 : f32
      %mul3A_524 = vector.broadcast %mul3A_523 : f32 to vector<1x16xf32>
      %mul3A_525 = arith.mulf %get3A_522, %mul3A_524 : vector<1x16xf32>
      %swap3A_526 = arith.index_cast %add3A_436 : i32 to index
      %swap3A_527 = arith.constant 112 : index
      %swap3A_528 = tpu.vector_load %arg7[%swap3A_526, %swap3A_527] {strides = array<i32>} : memref<256x128xf32, #tpu.memory_space<vmem>>, vector<1x16xf32>,
      %swap3A_529 = vector.shape_cast %swap3A_528 : vector<1x16xf32> to vector<1x16xf32>
      %swap3A_530 = vector.shape_cast %mul3A_525 : vector<1x16xf32> to vector<1x16xf32>
      tpu.vector_store %arg7[%swap3A_526, %swap3A_527], %swap3A_530 {add = true, strides = array<i32>} : memref<256x128xf32, #tpu.memory_space<vmem>>, vector<1x16xf32>,
    }
    %scan3A_171 = arith.constant 32 : i32
    %add3A_172 = arith.constant 32 : i32
    %add3A_173 = arith.addi %mul3A_34, %add3A_172 : i32
    %dma_start3A_174 = arith.constant 32 : i32
    %dma_start3A_175 = arith.constant 0 : i32
    %dma_start3A_176 = tpu.memref_slice %arg7[%dma_start3A_174, %dma_start3A_175] : memref<256x128xf32, #tpu.memory_space<vmem>> -> memref<32x128xf32, #tpu.memory_space<vmem>>
    %dma_start3A_177 = arith.constant 0 : i32
    %dma_start3A_178 = tpu.memref_slice %arg4[%add3A_173, %dma_start3A_177] : memref<8192x128xf32, #tpu.memory_space<hbm>> -> memref<32x128xf32, #tpu.memory_space<hbm>>
    %dma_start3A_179 = arith.constant 0 : i32
    %dma_start3A_180 = tpu.memref_slice %arg4[%add3A_173, %dma_start3A_179] : memref<8192x128xf32, #tpu.memory_space<hbm>> -> memref<32x128xf32, #tpu.memory_space<hbm>>
    %dma_start3A_181 = arith.constant 32 : i32
    %dma_start3A_182 = arith.constant 0 : i32
    %dma_start3A_183 = tpu.memref_slice %arg7[%dma_start3A_181, %dma_start3A_182] : memref<256x128xf32, #tpu.memory_space<vmem>> -> memref<32x128xf32, #tpu.memory_space<vmem>>
    tpu.enqueue_dma source(%dma_start3A_183 : memref<32x128xf32, #tpu.memory_space<vmem>>) target(%dma_start3A_180 : memref<32x128xf32, #tpu.memory_space<hbm>>) target_semaphore(%arg11 : memref<!tpu.dma_semaphore, #tpu.memory_space<semaphore_mem>>)
    %dma_wait3A_184 = arith.constant 2 : i32
    %dma_wait3A_185 = arith.constant 64 : i32
    %dma_wait3A_186 = arith.constant 0 : i32
    %dma_wait3A_187 = tpu.memref_slice %arg6[%dma_wait3A_185, %dma_wait3A_186] : memref<256x128xf32, #tpu.memory_space<vmem>> -> memref<32x128xf32, #tpu.memory_space<vmem>>
    %dma_wait3A_188 = arith.constant 64 : i32
    %dma_wait3A_189 = tpu.memref_slice %arg5[%dma_wait3A_188] : memref<256xi32, #tpu.memory_space<vmem>> -> memref<32xi32, #tpu.memory_space<vmem>>
    %dma_wait3A_190 = arith.constant 0 : i32
    %dma_wait3A_191 = arith.constant 0 : i32
    %dma_wait3A_192 = tpu.memref_slice %arg2[%dma_wait3A_190, %dma_wait3A_191] : memref<100000x128xf32, #tpu.memory_space<hbm>> -> memref<100000x128xf32, #tpu.memory_space<hbm>>
    %dma_wait3A_193 = tpu.memref_slice %arg9[%dma_wait3A_184] : memref<8x!tpu.dma_semaphore, #tpu.memory_space<semaphore_mem>> -> memref<1x!tpu.dma_semaphore, #tpu.memory_space<semaphore_mem>>
    %dma_wait3A_194 = tpu.memref_squeeze %dma_wait3A_193 : memref<1x!tpu.dma_semaphore, #tpu.memory_space<semaphore_mem>> -> memref<!tpu.dma_semaphore, #tpu.memory_space<semaphore_mem>>
    tpu.wait_indirect_dma semaphore(%dma_wait3A_194 : memref<!tpu.dma_semaphore, #tpu.memory_space<semaphore_mem>>) src(%dma_wait3A_192 : memref<100000x128xf32, #tpu.memory_space<hbm>>) dst(%dma_wait3A_187 : memref<32x128xf32, #tpu.memory_space<vmem>>)
    %scan3A_195 = arith.constant 0 : i32
    %scan3A_196 = arith.constant 32 : i32
    %scan3A_197 = arith.addi %scan3A_195, %scan3A_196 : i32
    %scan3A_198 = arith.constant 1 : i32
    scf.for %scan3A_432 = %scan3A_195 to %scan3A_197 step %scan3A_198  : i32 {
      %mul3A_433 = arith.constant 1 : i32
      %mul3A_434 = arith.muli %scan3A_432, %mul3A_433 : i32
      %add3A_435 = arith.constant 64 : i32
      %add3A_436 = arith.addi %add3A_435, %mul3A_434 : i32
      %get3A = arith.index_cast %add3A_436 : i32 to index
      %get3A_437 = arith.constant 0 : index
      %get3A_438 = tpu.vector_load %arg6[%get3A, %get3A_437] {strides = array<i32>} : memref<256x128xf32, #tpu.memory_space<vmem>>, vector<1x16xf32>,
      %get3A_439 = vector.shape_cast %get3A_438 : vector<1x16xf32> to vector<1x16xf32>
      %mul3A_440 = arith.constant 11.3137083 : f32
      %mul3A_441 = vector.broadcast %mul3A_440 : f32 to vector<1x16xf32>
      %mul3A_442 = arith.mulf %get3A_439, %mul3A_441 : vector<1x16xf32>
      %swap3A = arith.index_cast %add3A_436 : i32 to index
      %swap3A_443 = arith.constant 0 : index
      %swap3A_444 = tpu.vector_load %arg7[%swap3A, %swap3A_443] {strides = array<i32>} : memref<256x128xf32, #tpu.memory_space<vmem>>, vector<1x16xf32>,
      %swap3A_445 = vector.shape_cast %swap3A_444 : vector<1x16xf32> to vector<1x16xf32>
      %swap3A_446 = vector.shape_cast %mul3A_442 : vector<1x16xf32> to vector<1x16xf32>
      tpu.vector_store %arg7[%swap3A, %swap3A_443], %swap3A_446 {add = true, strides = array<i32>} : memref<256x128xf32, #tpu.memory_space<vmem>>, vector<1x16xf32>,
      %get3A_447 = arith.index_cast %add3A_436 : i32 to index
      %get3A_448 = arith.constant 16 : index
      %get3A_449 = tpu.vector_load %arg6[%get3A_447, %get3A_448] {strides = array<i32>} : memref<256x128xf32, #tpu.memory_space<vmem>>, vector<1x16xf32>,
      %get3A_450 = vector.shape_cast %get3A_449 : vector<1x16xf32> to vector<1x16xf32>
      %mul3A_451 = arith.constant 11.3137083 : f32
      %mul3A_452 = vector.broadcast %mul3A_451 : f32 to vector<1x16xf32>
      %mul3A_453 = arith.mulf %get3A_450, %mul3A_452 : vector<1x16xf32>
      %swap3A_454 = arith.index_cast %add3A_436 : i32 to index
      %swap3A_455 = arith.constant 16 : index
      %swap3A_456 = tpu.vector_load %arg7[%swap3A_454, %swap3A_455] {strides = array<i32>} : memref<256x128xf32, #tpu.memory_space<vmem>>, vector<1x16xf32>,
      %swap3A_457 = vector.shape_cast %swap3A_456 : vector<1x16xf32> to vector<1x16xf32>
      %swap3A_458 = vector.shape_cast %mul3A_453 : vector<1x16xf32> to vector<1x16xf32>
      tpu.vector_store %arg7[%swap3A_454, %swap3A_455], %swap3A_458 {add = true, strides = array<i32>} : memref<256x128xf32, #tpu.memory_space<vmem>>, vector<1x16xf32>,
      %get3A_459 = arith.index_cast %add3A_436 : i32 to index
      %get3A_460 = arith.constant 32 : index
      %get3A_461 = tpu.vector_load %arg6[%get3A_459, %get3A_460] {strides = array<i32>} : memref<256x128xf32, #tpu.memory_space<vmem>>, vector<1x16xf32>,
      %get3A_462 = vector.shape_cast %get3A_461 : vector<1x16xf32> to vector<1x16xf32>
      %mul3A_463 = arith.constant 11.3137083 : f32
      %mul3A_464 = vector.broadcast %mul3A_463 : f32 to vector<1x16xf32>
      %mul3A_465 = arith.mulf %get3A_462, %mul3A_464 : vector<1x16xf32>
      %swap3A_466 = arith.index_cast %add3A_436 : i32 to index
      %swap3A_467 = arith.constant 32 : index
      %swap3A_468 = tpu.vector_load %arg7[%swap3A_466, %swap3A_467] {strides = array<i32>} : memref<256x128xf32, #tpu.memory_space<vmem>>, vector<1x16xf32>,
      %swap3A_469 = vector.shape_cast %swap3A_468 : vector<1x16xf32> to vector<1x16xf32>
      %swap3A_470 = vector.shape_cast %mul3A_465 : vector<1x16xf32> to vector<1x16xf32>
      tpu.vector_store %arg7[%swap3A_466, %swap3A_467], %swap3A_470 {add = true, strides = array<i32>} : memref<256x128xf32, #tpu.memory_space<vmem>>, vector<1x16xf32>,
      %get3A_471 = arith.index_cast %add3A_436 : i32 to index
      %get3A_472 = arith.constant 48 : index
      %get3A_473 = tpu.vector_load %arg6[%get3A_471, %get3A_472] {strides = array<i32>} : memref<256x128xf32, #tpu.memory_space<vmem>>, vector<1x16xf32>,
      %get3A_474 = vector.shape_cast %get3A_473 : vector<1x16xf32> to vector<1x16xf32>
      %mul3A_475 = arith.constant 11.3137083 : f32
      %mul3A_476 = vector.broadcast %mul3A_475 : f32 to vector<1x16xf32>
      %mul3A_477 = arith.mulf %get3A_474, %mul3A_476 : vector<1x16xf32>
      %swap3A_478 = arith.index_cast %add3A_436 : i32 to index
      %swap3A_479 = arith.constant 48 : index
      %swap3A_480 = tpu.vector_load %arg7[%swap3A_478, %swap3A_479] {strides = array<i32>} : memref<256x128xf32, #tpu.memory_space<vmem>>, vector<1x16xf32>,
      %swap3A_481 = vector.shape_cast %swap3A_480 : vector<1x16xf32> to vector<1x16xf32>
      %swap3A_482 = vector.shape_cast %mul3A_477 : vector<1x16xf32> to vector<1x16xf32>
      tpu.vector_store %arg7[%swap3A_478, %swap3A_479], %swap3A_482 {add = true, strides = array<i32>} : memref<256x128xf32, #tpu.memory_space<vmem>>, vector<1x16xf32>,
      %get3A_483 = arith.index_cast %add3A_436 : i32 to index
      %get3A_484 = arith.constant 64 : index
      %get3A_485 = tpu.vector_load %arg6[%get3A_483, %get3A_484] {strides = array<i32>} : memref<256x128xf32, #tpu.memory_space<vmem>>, vector<1x16xf32>,
      %get3A_486 = vector.shape_cast %get3A_485 : vector<1x16xf32> to vector<1x16xf32>
      %mul3A_487 = arith.constant 11.3137083 : f32
      %mul3A_488 = vector.broadcast %mul3A_487 : f32 to vector<1x16xf32>
      %mul3A_489 = arith.mulf %get3A_486, %mul3A_488 : vector<1x16xf32>
      %swap3A_490 = arith.index_cast %add3A_436 : i32 to index
      %swap3A_491 = arith.constant 64 : index
      %swap3A_492 = tpu.vector_load %arg7[%swap3A_490, %swap3A_491] {strides = array<i32>} : memref<256x128xf32, #tpu.memory_space<vmem>>, vector<1x16xf32>,
      %swap3A_493 = vector.shape_cast %swap3A_492 : vector<1x16xf32> to vector<1x16xf32>
      %swap3A_494 = vector.shape_cast %mul3A_489 : vector<1x16xf32> to vector<1x16xf32>
      tpu.vector_store %arg7[%swap3A_490, %swap3A_491], %swap3A_494 {add = true, strides = array<i32>} : memref<256x128xf32, #tpu.memory_space<vmem>>, vector<1x16xf32>,
      %get3A_495 = arith.index_cast %add3A_436 : i32 to index
      %get3A_496 = arith.constant 80 : index
      %get3A_497 = tpu.vector_load %arg6[%get3A_495, %get3A_496] {strides = array<i32>} : memref<256x128xf32, #tpu.memory_space<vmem>>, vector<1x16xf32>,
      %get3A_498 = vector.shape_cast %get3A_497 : vector<1x16xf32> to vector<1x16xf32>
      %mul3A_499 = arith.constant 11.3137083 : f32
      %mul3A_500 = vector.broadcast %mul3A_499 : f32 to vector<1x16xf32>
      %mul3A_501 = arith.mulf %get3A_498, %mul3A_500 : vector<1x16xf32>
      %swap3A_502 = arith.index_cast %add3A_436 : i32 to index
      %swap3A_503 = arith.constant 80 : index
      %swap3A_504 = tpu.vector_load %arg7[%swap3A_502, %swap3A_503] {strides = array<i32>} : memref<256x128xf32, #tpu.memory_space<vmem>>, vector<1x16xf32>,
      %swap3A_505 = vector.shape_cast %swap3A_504 : vector<1x16xf32> to vector<1x16xf32>
      %swap3A_506 = vector.shape_cast %mul3A_501 : vector<1x16xf32> to vector<1x16xf32>
      tpu.vector_store %arg7[%swap3A_502, %swap3A_503], %swap3A_506 {add = true, strides = array<i32>} : memref<256x128xf32, #tpu.memory_space<vmem>>, vector<1x16xf32>,
      %get3A_507 = arith.index_cast %add3A_436 : i32 to index
      %get3A_508 = arith.constant 96 : index
      %get3A_509 = tpu.vector_load %arg6[%get3A_507, %get3A_508] {strides = array<i32>} : memref<256x128xf32, #tpu.memory_space<vmem>>, vector<1x16xf32>,
      %get3A_510 = vector.shape_cast %get3A_509 : vector<1x16xf32> to vector<1x16xf32>
      %mul3A_511 = arith.constant 11.3137083 : f32
      %mul3A_512 = vector.broadcast %mul3A_511 : f32 to vector<1x16xf32>
      %mul3A_513 = arith.mulf %get3A_510, %mul3A_512 : vector<1x16xf32>
      %swap3A_514 = arith.index_cast %add3A_436 : i32 to index
      %swap3A_515 = arith.constant 96 : index
      %swap3A_516 = tpu.vector_load %arg7[%swap3A_514, %swap3A_515] {strides = array<i32>} : memref<256x128xf32, #tpu.memory_space<vmem>>, vector<1x16xf32>,
      %swap3A_517 = vector.shape_cast %swap3A_516 : vector<1x16xf32> to vector<1x16xf32>
      %swap3A_518 = vector.shape_cast %mul3A_513 : vector<1x16xf32> to vector<1x16xf32>
      tpu.vector_store %arg7[%swap3A_514, %swap3A_515], %swap3A_518 {add = true, strides = array<i32>} : memref<256x128xf32, #tpu.memory_space<vmem>>, vector<1x16xf32>,
      %get3A_519 = arith.index_cast %add3A_436 : i32 to index
      %get3A_520 = arith.constant 112 : index
      %get3A_521 = tpu.vector_load %arg6[%get3A_519, %get3A_520] {strides = array<i32>} : memref<256x128xf32, #tpu.memory_space<vmem>>, vector<1x16xf32>,
      %get3A_522 = vector.shape_cast %get3A_521 : vector<1x16xf32> to vector<1x16xf32>
      %mul3A_523 = arith.constant 11.3137083 : f32
      %mul3A_524 = vector.broadcast %mul3A_523 : f32 to vector<1x16xf32>
      %mul3A_525 = arith.mulf %get3A_522, %mul3A_524 : vector<1x16xf32>
      %swap3A_526 = arith.index_cast %add3A_436 : i32 to index
      %swap3A_527 = arith.constant 112 : index
      %swap3A_528 = tpu.vector_load %arg7[%swap3A_526, %swap3A_527] {strides = array<i32>} : memref<256x128xf32, #tpu.memory_space<vmem>>, vector<1x16xf32>,
      %swap3A_529 = vector.shape_cast %swap3A_528 : vector<1x16xf32> to vector<1x16xf32>
      %swap3A_530 = vector.shape_cast %mul3A_525 : vector<1x16xf32> to vector<1x16xf32>
      tpu.vector_store %arg7[%swap3A_526, %swap3A_527], %swap3A_530 {add = true, strides = array<i32>} : memref<256x128xf32, #tpu.memory_space<vmem>>, vector<1x16xf32>,
    }
    %scan3A_199 = arith.constant 32 : i32
    %add3A_200 = arith.constant 64 : i32
    %add3A_201 = arith.addi %mul3A_34, %add3A_200 : i32
    %dma_start3A_202 = arith.constant 64 : i32
    %dma_start3A_203 = arith.constant 0 : i32
    %dma_start3A_204 = tpu.memref_slice %arg7[%dma_start3A_202, %dma_start3A_203] : memref<256x128xf32, #tpu.memory_space<vmem>> -> memref<32x128xf32, #tpu.memory_space<vmem>>
    %dma_start3A_205 = arith.constant 0 : i32
    %dma_start3A_206 = tpu.memref_slice %arg4[%add3A_201, %dma_start3A_205] : memref<8192x128xf32, #tpu.memory_space<hbm>> -> memref<32x128xf32, #tpu.memory_space<hbm>>
    %dma_start3A_207 = arith.constant 0 : i32
    %dma_start3A_208 = tpu.memref_slice %arg4[%add3A_201, %dma_start3A_207] : memref<8192x128xf32, #tpu.memory_space<hbm>> -> memref<32x128xf32, #tpu.memory_space<hbm>>
    %dma_start3A_209 = arith.constant 64 : i32
    %dma_start3A_210 = arith.constant 0 : i32
    %dma_start3A_211 = tpu.memref_slice %arg7[%dma_start3A_209, %dma_start3A_210] : memref<256x128xf32, #tpu.memory_space<vmem>> -> memref<32x128xf32, #tpu.memory_space<vmem>>
    tpu.enqueue_dma source(%dma_start3A_211 : memref<32x128xf32, #tpu.memory_space<vmem>>) target(%dma_start3A_208 : memref<32x128xf32, #tpu.memory_space<hbm>>) target_semaphore(%arg11 : memref<!tpu.dma_semaphore, #tpu.memory_space<semaphore_mem>>)
    %dma_wait3A_212 = arith.constant 3 : i32
    %dma_wait3A_213 = arith.constant 96 : i32
    %dma_wait3A_214 = arith.constant 0 : i32
    %dma_wait3A_215 = tpu.memref_slice %arg6[%dma_wait3A_213, %dma_wait3A_214] : memref<256x128xf32, #tpu.memory_space<vmem>> -> memref<32x128xf32, #tpu.memory_space<vmem>>
    %dma_wait3A_216 = arith.constant 96 : i32
    %dma_wait3A_217 = tpu.memref_slice %arg5[%dma_wait3A_216] : memref<256xi32, #tpu.memory_space<vmem>> -> memref<32xi32, #tpu.memory_space<vmem>>
    %dma_wait3A_218 = arith.constant 0 : i32
    %dma_wait3A_219 = arith.constant 0 : i32
    %dma_wait3A_220 = tpu.memref_slice %arg2[%dma_wait3A_218, %dma_wait3A_219] : memref<100000x128xf32, #tpu.memory_space<hbm>> -> memref<100000x128xf32, #tpu.memory_space<hbm>>
    %dma_wait3A_221 = tpu.memref_slice %arg9[%dma_wait3A_212] : memref<8x!tpu.dma_semaphore, #tpu.memory_space<semaphore_mem>> -> memref<1x!tpu.dma_semaphore, #tpu.memory_space<semaphore_mem>>
    %dma_wait3A_222 = tpu.memref_squeeze %dma_wait3A_221 : memref<1x!tpu.dma_semaphore, #tpu.memory_space<semaphore_mem>> -> memref<!tpu.dma_semaphore, #tpu.memory_space<semaphore_mem>>
    tpu.wait_indirect_dma semaphore(%dma_wait3A_222 : memref<!tpu.dma_semaphore, #tpu.memory_space<semaphore_mem>>) src(%dma_wait3A_220 : memref<100000x128xf32, #tpu.memory_space<hbm>>) dst(%dma_wait3A_215 : memref<32x128xf32, #tpu.memory_space<vmem>>)
    %scan3A_223 = arith.constant 0 : i32
    %scan3A_224 = arith.constant 32 : i32
    %scan3A_225 = arith.addi %scan3A_223, %scan3A_224 : i32
    %scan3A_226 = arith.constant 1 : i32
    scf.for %scan3A_432 = %scan3A_223 to %scan3A_225 step %scan3A_226  : i32 {
      %mul3A_433 = arith.constant 1 : i32
      %mul3A_434 = arith.muli %scan3A_432, %mul3A_433 : i32
      %add3A_435 = arith.constant 96 : i32
      %add3A_436 = arith.addi %add3A_435, %mul3A_434 : i32
      %get3A = arith.index_cast %add3A_436 : i32 to index
      %get3A_437 = arith.constant 0 : index
      %get3A_438 = tpu.vector_load %arg6[%get3A, %get3A_437] {strides = array<i32>} : memref<256x128xf32, #tpu.memory_space<vmem>>, vector<1x16xf32>,
      %get3A_439 = vector.shape_cast %get3A_438 : vector<1x16xf32> to vector<1x16xf32>
      %mul3A_440 = arith.constant 11.3137083 : f32
      %mul3A_441 = vector.broadcast %mul3A_440 : f32 to vector<1x16xf32>
      %mul3A_442 = arith.mulf %get3A_439, %mul3A_441 : vector<1x16xf32>
      %swap3A = arith.index_cast %add3A_436 : i32 to index
      %swap3A_443 = arith.constant 0 : index
      %swap3A_444 = tpu.vector_load %arg7[%swap3A, %swap3A_443] {strides = array<i32>} : memref<256x128xf32, #tpu.memory_space<vmem>>, vector<1x16xf32>,
      %swap3A_445 = vector.shape_cast %swap3A_444 : vector<1x16xf32> to vector<1x16xf32>
      %swap3A_446 = vector.shape_cast %mul3A_442 : vector<1x16xf32> to vector<1x16xf32>
      tpu.vector_store %arg7[%swap3A, %swap3A_443], %swap3A_446 {add = true, strides = array<i32>} : memref<256x128xf32, #tpu.memory_space<vmem>>, vector<1x16xf32>,
      %get3A_447 = arith.index_cast %add3A_436 : i32 to index
      %get3A_448 = arith.constant 16 : index
      %get3A_449 = tpu.vector_load %arg6[%get3A_447, %get3A_448] {strides = array<i32>} : memref<256x128xf32, #tpu.memory_space<vmem>>, vector<1x16xf32>,
      %get3A_450 = vector.shape_cast %get3A_449 : vector<1x16xf32> to vector<1x16xf32>
      %mul3A_451 = arith.constant 11.3137083 : f32
      %mul3A_452 = vector.broadcast %mul3A_451 : f32 to vector<1x16xf32>
      %mul3A_453 = arith.mulf %get3A_450, %mul3A_452 : vector<1x16xf32>
      %swap3A_454 = arith.index_cast %add3A_436 : i32 to index
      %swap3A_455 = arith.constant 16 : index
      %swap3A_456 = tpu.vector_load %arg7[%swap3A_454, %swap3A_455] {strides = array<i32>} : memref<256x128xf32, #tpu.memory_space<vmem>>, vector<1x16xf32>,
      %swap3A_457 = vector.shape_cast %swap3A_456 : vector<1x16xf32> to vector<1x16xf32>
      %swap3A_458 = vector.shape_cast %mul3A_453 : vector<1x16xf32> to vector<1x16xf32>
      tpu.vector_store %arg7[%swap3A_454, %swap3A_455], %swap3A_458 {add = true, strides = array<i32>} : memref<256x128xf32, #tpu.memory_space<vmem>>, vector<1x16xf32>,
      %get3A_459 = arith.index_cast %add3A_436 : i32 to index
      %get3A_460 = arith.constant 32 : index
      %get3A_461 = tpu.vector_load %arg6[%get3A_459, %get3A_460] {strides = array<i32>} : memref<256x128xf32, #tpu.memory_space<vmem>>, vector<1x16xf32>,
      %get3A_462 = vector.shape_cast %get3A_461 : vector<1x16xf32> to vector<1x16xf32>
      %mul3A_463 = arith.constant 11.3137083 : f32
      %mul3A_464 = vector.broadcast %mul3A_463 : f32 to vector<1x16xf32>
      %mul3A_465 = arith.mulf %get3A_462, %mul3A_464 : vector<1x16xf32>
      %swap3A_466 = arith.index_cast %add3A_436 : i32 to index
      %swap3A_467 = arith.constant 32 : index
      %swap3A_468 = tpu.vector_load %arg7[%swap3A_466, %swap3A_467] {strides = array<i32>} : memref<256x128xf32, #tpu.memory_space<vmem>>, vector<1x16xf32>,
      %swap3A_469 = vector.shape_cast %swap3A_468 : vector<1x16xf32> to vector<1x16xf32>
      %swap3A_470 = vector.shape_cast %mul3A_465 : vector<1x16xf32> to vector<1x16xf32>
      tpu.vector_store %arg7[%swap3A_466, %swap3A_467], %swap3A_470 {add = true, strides = array<i32>} : memref<256x128xf32, #tpu.memory_space<vmem>>, vector<1x16xf32>,
      %get3A_471 = arith.index_cast %add3A_436 : i32 to index
      %get3A_472 = arith.constant 48 : index
      %get3A_473 = tpu.vector_load %arg6[%get3A_471, %get3A_472] {strides = array<i32>} : memref<256x128xf32, #tpu.memory_space<vmem>>, vector<1x16xf32>,
      %get3A_474 = vector.shape_cast %get3A_473 : vector<1x16xf32> to vector<1x16xf32>
      %mul3A_475 = arith.constant 11.3137083 : f32
      %mul3A_476 = vector.broadcast %mul3A_475 : f32 to vector<1x16xf32>
      %mul3A_477 = arith.mulf %get3A_474, %mul3A_476 : vector<1x16xf32>
      %swap3A_478 = arith.index_cast %add3A_436 : i32 to index
      %swap3A_479 = arith.constant 48 : index
      %swap3A_480 = tpu.vector_load %arg7[%swap3A_478, %swap3A_479] {strides = array<i32>} : memref<256x128xf32, #tpu.memory_space<vmem>>, vector<1x16xf32>,
      %swap3A_481 = vector.shape_cast %swap3A_480 : vector<1x16xf32> to vector<1x16xf32>
      %swap3A_482 = vector.shape_cast %mul3A_477 : vector<1x16xf32> to vector<1x16xf32>
      tpu.vector_store %arg7[%swap3A_478, %swap3A_479], %swap3A_482 {add = true, strides = array<i32>} : memref<256x128xf32, #tpu.memory_space<vmem>>, vector<1x16xf32>,
      %get3A_483 = arith.index_cast %add3A_436 : i32 to index
      %get3A_484 = arith.constant 64 : index
      %get3A_485 = tpu.vector_load %arg6[%get3A_483, %get3A_484] {strides = array<i32>} : memref<256x128xf32, #tpu.memory_space<vmem>>, vector<1x16xf32>,
      %get3A_486 = vector.shape_cast %get3A_485 : vector<1x16xf32> to vector<1x16xf32>
      %mul3A_487 = arith.constant 11.3137083 : f32
      %mul3A_488 = vector.broadcast %mul3A_487 : f32 to vector<1x16xf32>
      %mul3A_489 = arith.mulf %get3A_486, %mul3A_488 : vector<1x16xf32>
      %swap3A_490 = arith.index_cast %add3A_436 : i32 to index
      %swap3A_491 = arith.constant 64 : index
      %swap3A_492 = tpu.vector_load %arg7[%swap3A_490, %swap3A_491] {strides = array<i32>} : memref<256x128xf32, #tpu.memory_space<vmem>>, vector<1x16xf32>,
      %swap3A_493 = vector.shape_cast %swap3A_492 : vector<1x16xf32> to vector<1x16xf32>
      %swap3A_494 = vector.shape_cast %mul3A_489 : vector<1x16xf32> to vector<1x16xf32>
      tpu.vector_store %arg7[%swap3A_490, %swap3A_491], %swap3A_494 {add = true, strides = array<i32>} : memref<256x128xf32, #tpu.memory_space<vmem>>, vector<1x16xf32>,
      %get3A_495 = arith.index_cast %add3A_436 : i32 to index
      %get3A_496 = arith.constant 80 : index
      %get3A_497 = tpu.vector_load %arg6[%get3A_495, %get3A_496] {strides = array<i32>} : memref<256x128xf32, #tpu.memory_space<vmem>>, vector<1x16xf32>,
      %get3A_498 = vector.shape_cast %get3A_497 : vector<1x16xf32> to vector<1x16xf32>
      %mul3A_499 = arith.constant 11.3137083 : f32
      %mul3A_500 = vector.broadcast %mul3A_499 : f32 to vector<1x16xf32>
      %mul3A_501 = arith.mulf %get3A_498, %mul3A_500 : vector<1x16xf32>
      %swap3A_502 = arith.index_cast %add3A_436 : i32 to index
      %swap3A_503 = arith.constant 80 : index
      %swap3A_504 = tpu.vector_load %arg7[%swap3A_502, %swap3A_503] {strides = array<i32>} : memref<256x128xf32, #tpu.memory_space<vmem>>, vector<1x16xf32>,
      %swap3A_505 = vector.shape_cast %swap3A_504 : vector<1x16xf32> to vector<1x16xf32>
      %swap3A_506 = vector.shape_cast %mul3A_501 : vector<1x16xf32> to vector<1x16xf32>
      tpu.vector_store %arg7[%swap3A_502, %swap3A_503], %swap3A_506 {add = true, strides = array<i32>} : memref<256x128xf32, #tpu.memory_space<vmem>>, vector<1x16xf32>,
      %get3A_507 = arith.index_cast %add3A_436 : i32 to index
      %get3A_508 = arith.constant 96 : index
      %get3A_509 = tpu.vector_load %arg6[%get3A_507, %get3A_508] {strides = array<i32>} : memref<256x128xf32, #tpu.memory_space<vmem>>, vector<1x16xf32>,
      %get3A_510 = vector.shape_cast %get3A_509 : vector<1x16xf32> to vector<1x16xf32>
      %mul3A_511 = arith.constant 11.3137083 : f32
      %mul3A_512 = vector.broadcast %mul3A_511 : f32 to vector<1x16xf32>
      %mul3A_513 = arith.mulf %get3A_510, %mul3A_512 : vector<1x16xf32>
      %swap3A_514 = arith.index_cast %add3A_436 : i32 to index
      %swap3A_515 = arith.constant 96 : index
      %swap3A_516 = tpu.vector_load %arg7[%swap3A_514, %swap3A_515] {strides = array<i32>} : memref<256x128xf32, #tpu.memory_space<vmem>>, vector<1x16xf32>,
      %swap3A_517 = vector.shape_cast %swap3A_516 : vector<1x16xf32> to vector<1x16xf32>
      %swap3A_518 = vector.shape_cast %mul3A_513 : vector<1x16xf32> to vector<1x16xf32>
      tpu.vector_store %arg7[%swap3A_514, %swap3A_515], %swap3A_518 {add = true, strides = array<i32>} : memref<256x128xf32, #tpu.memory_space<vmem>>, vector<1x16xf32>,
      %get3A_519 = arith.index_cast %add3A_436 : i32 to index
      %get3A_520 = arith.constant 112 : index
      %get3A_521 = tpu.vector_load %arg6[%get3A_519, %get3A_520] {strides = array<i32>} : memref<256x128xf32, #tpu.memory_space<vmem>>, vector<1x16xf32>,
      %get3A_522 = vector.shape_cast %get3A_521 : vector<1x16xf32> to vector<1x16xf32>
      %mul3A_523 = arith.constant 11.3137083 : f32
      %mul3A_524 = vector.broadcast %mul3A_523 : f32 to vector<1x16xf32>
      %mul3A_525 = arith.mulf %get3A_522, %mul3A_524 : vector<1x16xf32>
      %swap3A_526 = arith.index_cast %add3A_436 : i32 to index
      %swap3A_527 = arith.constant 112 : index
      %swap3A_528 = tpu.vector_load %arg7[%swap3A_526, %swap3A_527] {strides = array<i32>} : memref<256x128xf32, #tpu.memory_space<vmem>>, vector<1x16xf32>,
      %swap3A_529 = vector.shape_cast %swap3A_528 : vector<1x16xf32> to vector<1x16xf32>
      %swap3A_530 = vector.shape_cast %mul3A_525 : vector<1x16xf32> to vector<1x16xf32>
      tpu.vector_store %arg7[%swap3A_526, %swap3A_527], %swap3A_530 {add = true, strides = array<i32>} : memref<256x128xf32, #tpu.memory_space<vmem>>, vector<1x16xf32>,
    }
    %scan3A_227 = arith.constant 32 : i32
    %add3A_228 = arith.constant 96 : i32
    %add3A_229 = arith.addi %mul3A_34, %add3A_228 : i32
    %dma_start3A_230 = arith.constant 96 : i32
    %dma_start3A_231 = arith.constant 0 : i32
    %dma_start3A_232 = tpu.memref_slice %arg7[%dma_start3A_230, %dma_start3A_231] : memref<256x128xf32, #tpu.memory_space<vmem>> -> memref<32x128xf32, #tpu.memory_space<vmem>>
    %dma_start3A_233 = arith.constant 0 : i32
    %dma_start3A_234 = tpu.memref_slice %arg4[%add3A_229, %dma_start3A_233] : memref<8192x128xf32, #tpu.memory_space<hbm>> -> memref<32x128xf32, #tpu.memory_space<hbm>>
    %dma_start3A_235 = arith.constant 0 : i32
    %dma_start3A_236 = tpu.memref_slice %arg4[%add3A_229, %dma_start3A_235] : memref<8192x128xf32, #tpu.memory_space<hbm>> -> memref<32x128xf32, #tpu.memory_space<hbm>>
    %dma_start3A_237 = arith.constant 96 : i32
    %dma_start3A_238 = arith.constant 0 : i32
    %dma_start3A_239 = tpu.memref_slice %arg7[%dma_start3A_237, %dma_start3A_238] : memref<256x128xf32, #tpu.memory_space<vmem>> -> memref<32x128xf32, #tpu.memory_space<vmem>>
    tpu.enqueue_dma source(%dma_start3A_239 : memref<32x128xf32, #tpu.memory_space<vmem>>) target(%dma_start3A_236 : memref<32x128xf32, #tpu.memory_space<hbm>>) target_semaphore(%arg11 : memref<!tpu.dma_semaphore, #tpu.memory_space<semaphore_mem>>)
    %dma_wait3A_240 = arith.constant 4 : i32
    %dma_wait3A_241 = arith.constant 128 : i32
    %dma_wait3A_242 = arith.constant 0 : i32
    %dma_wait3A_243 = tpu.memref_slice %arg6[%dma_wait3A_241, %dma_wait3A_242] : memref<256x128xf32, #tpu.memory_space<vmem>> -> memref<32x128xf32, #tpu.memory_space<vmem>>
    %dma_wait3A_244 = arith.constant 128 : i32
    %dma_wait3A_245 = tpu.memref_slice %arg5[%dma_wait3A_244] : memref<256xi32, #tpu.memory_space<vmem>> -> memref<32xi32, #tpu.memory_space<vmem>>
    %dma_wait3A_246 = arith.constant 0 : i32
    %dma_wait3A_247 = arith.constant 0 : i32
    %dma_wait3A_248 = tpu.memref_slice %arg2[%dma_wait3A_246, %dma_wait3A_247] : memref<100000x128xf32, #tpu.memory_space<hbm>> -> memref<100000x128xf32, #tpu.memory_space<hbm>>
    %dma_wait3A_249 = tpu.memref_slice %arg9[%dma_wait3A_240] : memref<8x!tpu.dma_semaphore, #tpu.memory_space<semaphore_mem>> -> memref<1x!tpu.dma_semaphore, #tpu.memory_space<semaphore_mem>>
    %dma_wait3A_250 = tpu.memref_squeeze %dma_wait3A_249 : memref<1x!tpu.dma_semaphore, #tpu.memory_space<semaphore_mem>> -> memref<!tpu.dma_semaphore, #tpu.memory_space<semaphore_mem>>
    tpu.wait_indirect_dma semaphore(%dma_wait3A_250 : memref<!tpu.dma_semaphore, #tpu.memory_space<semaphore_mem>>) src(%dma_wait3A_248 : memref<100000x128xf32, #tpu.memory_space<hbm>>) dst(%dma_wait3A_243 : memref<32x128xf32, #tpu.memory_space<vmem>>)
    %scan3A_251 = arith.constant 0 : i32
    %scan3A_252 = arith.constant 32 : i32
    %scan3A_253 = arith.addi %scan3A_251, %scan3A_252 : i32
    %scan3A_254 = arith.constant 1 : i32
    scf.for %scan3A_432 = %scan3A_251 to %scan3A_253 step %scan3A_254  : i32 {
      %mul3A_433 = arith.constant 1 : i32
      %mul3A_434 = arith.muli %scan3A_432, %mul3A_433 : i32
      %add3A_435 = arith.constant 128 : i32
      %add3A_436 = arith.addi %add3A_435, %mul3A_434 : i32
      %get3A = arith.index_cast %add3A_436 : i32 to index
      %get3A_437 = arith.constant 0 : index
      %get3A_438 = tpu.vector_load %arg6[%get3A, %get3A_437] {strides = array<i32>} : memref<256x128xf32, #tpu.memory_space<vmem>>, vector<1x16xf32>,
      %get3A_439 = vector.shape_cast %get3A_438 : vector<1x16xf32> to vector<1x16xf32>
      %mul3A_440 = arith.constant 11.3137083 : f32
      %mul3A_441 = vector.broadcast %mul3A_440 : f32 to vector<1x16xf32>
      %mul3A_442 = arith.mulf %get3A_439, %mul3A_441 : vector<1x16xf32>
      %swap3A = arith.index_cast %add3A_436 : i32 to index
      %swap3A_443 = arith.constant 0 : index
      %swap3A_444 = tpu.vector_load %arg7[%swap3A, %swap3A_443] {strides = array<i32>} : memref<256x128xf32, #tpu.memory_space<vmem>>, vector<1x16xf32>,
      %swap3A_445 = vector.shape_cast %swap3A_444 : vector<1x16xf32> to vector<1x16xf32>
      %swap3A_446 = vector.shape_cast %mul3A_442 : vector<1x16xf32> to vector<1x16xf32>
      tpu.vector_store %arg7[%swap3A, %swap3A_443], %swap3A_446 {add = true, strides = array<i32>} : memref<256x128xf32, #tpu.memory_space<vmem>>, vector<1x16xf32>,
      %get3A_447 = arith.index_cast %add3A_436 : i32 to index
      %get3A_448 = arith.constant 16 : index
      %get3A_449 = tpu.vector_load %arg6[%get3A_447, %get3A_448] {strides = array<i32>} : memref<256x128xf32, #tpu.memory_space<vmem>>, vector<1x16xf32>,
      %get3A_450 = vector.shape_cast %get3A_449 : vector<1x16xf32> to vector<1x16xf32>
      %mul3A_451 = arith.constant 11.3137083 : f32
      %mul3A_452 = vector.broadcast %mul3A_451 : f32 to vector<1x16xf32>
      %mul3A_453 = arith.mulf %get3A_450, %mul3A_452 : vector<1x16xf32>
      %swap3A_454 = arith.index_cast %add3A_436 : i32 to index
      %swap3A_455 = arith.constant 16 : index
      %swap3A_456 = tpu.vector_load %arg7[%swap3A_454, %swap3A_455] {strides = array<i32>} : memref<256x128xf32, #tpu.memory_space<vmem>>, vector<1x16xf32>,
      %swap3A_457 = vector.shape_cast %swap3A_456 : vector<1x16xf32> to vector<1x16xf32>
      %swap3A_458 = vector.shape_cast %mul3A_453 : vector<1x16xf32> to vector<1x16xf32>
      tpu.vector_store %arg7[%swap3A_454, %swap3A_455], %swap3A_458 {add = true, strides = array<i32>} : memref<256x128xf32, #tpu.memory_space<vmem>>, vector<1x16xf32>,
      %get3A_459 = arith.index_cast %add3A_436 : i32 to index
      %get3A_460 = arith.constant 32 : index
      %get3A_461 = tpu.vector_load %arg6[%get3A_459, %get3A_460] {strides = array<i32>} : memref<256x128xf32, #tpu.memory_space<vmem>>, vector<1x16xf32>,
      %get3A_462 = vector.shape_cast %get3A_461 : vector<1x16xf32> to vector<1x16xf32>
      %mul3A_463 = arith.constant 11.3137083 : f32
      %mul3A_464 = vector.broadcast %mul3A_463 : f32 to vector<1x16xf32>
      %mul3A_465 = arith.mulf %get3A_462, %mul3A_464 : vector<1x16xf32>
      %swap3A_466 = arith.index_cast %add3A_436 : i32 to index
      %swap3A_467 = arith.constant 32 : index
      %swap3A_468 = tpu.vector_load %arg7[%swap3A_466, %swap3A_467] {strides = array<i32>} : memref<256x128xf32, #tpu.memory_space<vmem>>, vector<1x16xf32>,
      %swap3A_469 = vector.shape_cast %swap3A_468 : vector<1x16xf32> to vector<1x16xf32>
      %swap3A_470 = vector.shape_cast %mul3A_465 : vector<1x16xf32> to vector<1x16xf32>
      tpu.vector_store %arg7[%swap3A_466, %swap3A_467], %swap3A_470 {add = true, strides = array<i32>} : memref<256x128xf32, #tpu.memory_space<vmem>>, vector<1x16xf32>,
      %get3A_471 = arith.index_cast %add3A_436 : i32 to index
      %get3A_472 = arith.constant 48 : index
      %get3A_473 = tpu.vector_load %arg6[%get3A_471, %get3A_472] {strides = array<i32>} : memref<256x128xf32, #tpu.memory_space<vmem>>, vector<1x16xf32>,
      %get3A_474 = vector.shape_cast %get3A_473 : vector<1x16xf32> to vector<1x16xf32>
      %mul3A_475 = arith.constant 11.3137083 : f32
      %mul3A_476 = vector.broadcast %mul3A_475 : f32 to vector<1x16xf32>
      %mul3A_477 = arith.mulf %get3A_474, %mul3A_476 : vector<1x16xf32>
      %swap3A_478 = arith.index_cast %add3A_436 : i32 to index
      %swap3A_479 = arith.constant 48 : index
      %swap3A_480 = tpu.vector_load %arg7[%swap3A_478, %swap3A_479] {strides = array<i32>} : memref<256x128xf32, #tpu.memory_space<vmem>>, vector<1x16xf32>,
      %swap3A_481 = vector.shape_cast %swap3A_480 : vector<1x16xf32> to vector<1x16xf32>
      %swap3A_482 = vector.shape_cast %mul3A_477 : vector<1x16xf32> to vector<1x16xf32>
      tpu.vector_store %arg7[%swap3A_478, %swap3A_479], %swap3A_482 {add = true, strides = array<i32>} : memref<256x128xf32, #tpu.memory_space<vmem>>, vector<1x16xf32>,
      %get3A_483 = arith.index_cast %add3A_436 : i32 to index
      %get3A_484 = arith.constant 64 : index
      %get3A_485 = tpu.vector_load %arg6[%get3A_483, %get3A_484] {strides = array<i32>} : memref<256x128xf32, #tpu.memory_space<vmem>>, vector<1x16xf32>,
      %get3A_486 = vector.shape_cast %get3A_485 : vector<1x16xf32> to vector<1x16xf32>
      %mul3A_487 = arith.constant 11.3137083 : f32
      %mul3A_488 = vector.broadcast %mul3A_487 : f32 to vector<1x16xf32>
      %mul3A_489 = arith.mulf %get3A_486, %mul3A_488 : vector<1x16xf32>
      %swap3A_490 = arith.index_cast %add3A_436 : i32 to index
      %swap3A_491 = arith.constant 64 : index
      %swap3A_492 = tpu.vector_load %arg7[%swap3A_490, %swap3A_491] {strides = array<i32>} : memref<256x128xf32, #tpu.memory_space<vmem>>, vector<1x16xf32>,
      %swap3A_493 = vector.shape_cast %swap3A_492 : vector<1x16xf32> to vector<1x16xf32>
      %swap3A_494 = vector.shape_cast %mul3A_489 : vector<1x16xf32> to vector<1x16xf32>
      tpu.vector_store %arg7[%swap3A_490, %swap3A_491], %swap3A_494 {add = true, strides = array<i32>} : memref<256x128xf32, #tpu.memory_space<vmem>>, vector<1x16xf32>,
      %get3A_495 = arith.index_cast %add3A_436 : i32 to index
      %get3A_496 = arith.constant 80 : index
      %get3A_497 = tpu.vector_load %arg6[%get3A_495, %get3A_496] {strides = array<i32>} : memref<256x128xf32, #tpu.memory_space<vmem>>, vector<1x16xf32>,
      %get3A_498 = vector.shape_cast %get3A_497 : vector<1x16xf32> to vector<1x16xf32>
      %mul3A_499 = arith.constant 11.3137083 : f32
      %mul3A_500 = vector.broadcast %mul3A_499 : f32 to vector<1x16xf32>
      %mul3A_501 = arith.mulf %get3A_498, %mul3A_500 : vector<1x16xf32>
      %swap3A_502 = arith.index_cast %add3A_436 : i32 to index
      %swap3A_503 = arith.constant 80 : index
      %swap3A_504 = tpu.vector_load %arg7[%swap3A_502, %swap3A_503] {strides = array<i32>} : memref<256x128xf32, #tpu.memory_space<vmem>>, vector<1x16xf32>,
      %swap3A_505 = vector.shape_cast %swap3A_504 : vector<1x16xf32> to vector<1x16xf32>
      %swap3A_506 = vector.shape_cast %mul3A_501 : vector<1x16xf32> to vector<1x16xf32>
      tpu.vector_store %arg7[%swap3A_502, %swap3A_503], %swap3A_506 {add = true, strides = array<i32>} : memref<256x128xf32, #tpu.memory_space<vmem>>, vector<1x16xf32>,
      %get3A_507 = arith.index_cast %add3A_436 : i32 to index
      %get3A_508 = arith.constant 96 : index
      %get3A_509 = tpu.vector_load %arg6[%get3A_507, %get3A_508] {strides = array<i32>} : memref<256x128xf32, #tpu.memory_space<vmem>>, vector<1x16xf32>,
      %get3A_510 = vector.shape_cast %get3A_509 : vector<1x16xf32> to vector<1x16xf32>
      %mul3A_511 = arith.constant 11.3137083 : f32
      %mul3A_512 = vector.broadcast %mul3A_511 : f32 to vector<1x16xf32>
      %mul3A_513 = arith.mulf %get3A_510, %mul3A_512 : vector<1x16xf32>
      %swap3A_514 = arith.index_cast %add3A_436 : i32 to index
      %swap3A_515 = arith.constant 96 : index
      %swap3A_516 = tpu.vector_load %arg7[%swap3A_514, %swap3A_515] {strides = array<i32>} : memref<256x128xf32, #tpu.memory_space<vmem>>, vector<1x16xf32>,
      %swap3A_517 = vector.shape_cast %swap3A_516 : vector<1x16xf32> to vector<1x16xf32>
      %swap3A_518 = vector.shape_cast %mul3A_513 : vector<1x16xf32> to vector<1x16xf32>
      tpu.vector_store %arg7[%swap3A_514, %swap3A_515], %swap3A_518 {add = true, strides = array<i32>} : memref<256x128xf32, #tpu.memory_space<vmem>>, vector<1x16xf32>,
      %get3A_519 = arith.index_cast %add3A_436 : i32 to index
      %get3A_520 = arith.constant 112 : index
      %get3A_521 = tpu.vector_load %arg6[%get3A_519, %get3A_520] {strides = array<i32>} : memref<256x128xf32, #tpu.memory_space<vmem>>, vector<1x16xf32>,
      %get3A_522 = vector.shape_cast %get3A_521 : vector<1x16xf32> to vector<1x16xf32>
      %mul3A_523 = arith.constant 11.3137083 : f32
      %mul3A_524 = vector.broadcast %mul3A_523 : f32 to vector<1x16xf32>
      %mul3A_525 = arith.mulf %get3A_522, %mul3A_524 : vector<1x16xf32>
      %swap3A_526 = arith.index_cast %add3A_436 : i32 to index
      %swap3A_527 = arith.constant 112 : index
      %swap3A_528 = tpu.vector_load %arg7[%swap3A_526, %swap3A_527] {strides = array<i32>} : memref<256x128xf32, #tpu.memory_space<vmem>>, vector<1x16xf32>,
      %swap3A_529 = vector.shape_cast %swap3A_528 : vector<1x16xf32> to vector<1x16xf32>
      %swap3A_530 = vector.shape_cast %mul3A_525 : vector<1x16xf32> to vector<1x16xf32>
      tpu.vector_store %arg7[%swap3A_526, %swap3A_527], %swap3A_530 {add = true, strides = array<i32>} : memref<256x128xf32, #tpu.memory_space<vmem>>, vector<1x16xf32>,
    }
    %scan3A_255 = arith.constant 32 : i32
    %add3A_256 = arith.constant 128 : i32
    %add3A_257 = arith.addi %mul3A_34, %add3A_256 : i32
    %dma_start3A_258 = arith.constant 128 : i32
    %dma_start3A_259 = arith.constant 0 : i32
    %dma_start3A_260 = tpu.memref_slice %arg7[%dma_start3A_258, %dma_start3A_259] : memref<256x128xf32, #tpu.memory_space<vmem>> -> memref<32x128xf32, #tpu.memory_space<vmem>>
    %dma_start3A_261 = arith.constant 0 : i32
    %dma_start3A_262 = tpu.memref_slice %arg4[%add3A_257, %dma_start3A_261] : memref<8192x128xf32, #tpu.memory_space<hbm>> -> memref<32x128xf32, #tpu.memory_space<hbm>>
    %dma_start3A_263 = arith.constant 0 : i32
    %dma_start3A_264 = tpu.memref_slice %arg4[%add3A_257, %dma_start3A_263] : memref<8192x128xf32, #tpu.memory_space<hbm>> -> memref<32x128xf32, #tpu.memory_space<hbm>>
    %dma_start3A_265 = arith.constant 128 : i32
    %dma_start3A_266 = arith.constant 0 : i32
    %dma_start3A_267 = tpu.memref_slice %arg7[%dma_start3A_265, %dma_start3A_266] : memref<256x128xf32, #tpu.memory_space<vmem>> -> memref<32x128xf32, #tpu.memory_space<vmem>>
    tpu.enqueue_dma source(%dma_start3A_267 : memref<32x128xf32, #tpu.memory_space<vmem>>) target(%dma_start3A_264 : memref<32x128xf32, #tpu.memory_space<hbm>>) target_semaphore(%arg11 : memref<!tpu.dma_semaphore, #tpu.memory_space<semaphore_mem>>)
    %dma_wait3A_268 = arith.constant 5 : i32
    %dma_wait3A_269 = arith.constant 160 : i32
    %dma_wait3A_270 = arith.constant 0 : i32
    %dma_wait3A_271 = tpu.memref_slice %arg6[%dma_wait3A_269, %dma_wait3A_270] : memref<256x128xf32, #tpu.memory_space<vmem>> -> memref<32x128xf32, #tpu.memory_space<vmem>>
    %dma_wait3A_272 = arith.constant 160 : i32
    %dma_wait3A_273 = tpu.memref_slice %arg5[%dma_wait3A_272] : memref<256xi32, #tpu.memory_space<vmem>> -> memref<32xi32, #tpu.memory_space<vmem>>
    %dma_wait3A_274 = arith.constant 0 : i32
    %dma_wait3A_275 = arith.constant 0 : i32
    %dma_wait3A_276 = tpu.memref_slice %arg2[%dma_wait3A_274, %dma_wait3A_275] : memref<100000x128xf32, #tpu.memory_space<hbm>> -> memref<100000x128xf32, #tpu.memory_space<hbm>>
    %dma_wait3A_277 = tpu.memref_slice %arg9[%dma_wait3A_268] : memref<8x!tpu.dma_semaphore, #tpu.memory_space<semaphore_mem>> -> memref<1x!tpu.dma_semaphore, #tpu.memory_space<semaphore_mem>>
    %dma_wait3A_278 = tpu.memref_squeeze %dma_wait3A_277 : memref<1x!tpu.dma_semaphore, #tpu.memory_space<semaphore_mem>> -> memref<!tpu.dma_semaphore, #tpu.memory_space<semaphore_mem>>
    tpu.wait_indirect_dma semaphore(%dma_wait3A_278 : memref<!tpu.dma_semaphore, #tpu.memory_space<semaphore_mem>>) src(%dma_wait3A_276 : memref<100000x128xf32, #tpu.memory_space<hbm>>) dst(%dma_wait3A_271 : memref<32x128xf32, #tpu.memory_space<vmem>>)
    %scan3A_279 = arith.constant 0 : i32
    %scan3A_280 = arith.constant 32 : i32
    %scan3A_281 = arith.addi %scan3A_279, %scan3A_280 : i32
    %scan3A_282 = arith.constant 1 : i32
    scf.for %scan3A_432 = %scan3A_279 to %scan3A_281 step %scan3A_282  : i32 {
      %mul3A_433 = arith.constant 1 : i32
      %mul3A_434 = arith.muli %scan3A_432, %mul3A_433 : i32
      %add3A_435 = arith.constant 160 : i32
      %add3A_436 = arith.addi %add3A_435, %mul3A_434 : i32
      %get3A = arith.index_cast %add3A_436 : i32 to index
      %get3A_437 = arith.constant 0 : index
      %get3A_438 = tpu.vector_load %arg6[%get3A, %get3A_437] {strides = array<i32>} : memref<256x128xf32, #tpu.memory_space<vmem>>, vector<1x16xf32>,
      %get3A_439 = vector.shape_cast %get3A_438 : vector<1x16xf32> to vector<1x16xf32>
      %mul3A_440 = arith.constant 11.3137083 : f32
      %mul3A_441 = vector.broadcast %mul3A_440 : f32 to vector<1x16xf32>
      %mul3A_442 = arith.mulf %get3A_439, %mul3A_441 : vector<1x16xf32>
      %swap3A = arith.index_cast %add3A_436 : i32 to index
      %swap3A_443 = arith.constant 0 : index
      %swap3A_444 = tpu.vector_load %arg7[%swap3A, %swap3A_443] {strides = array<i32>} : memref<256x128xf32, #tpu.memory_space<vmem>>, vector<1x16xf32>,
      %swap3A_445 = vector.shape_cast %swap3A_444 : vector<1x16xf32> to vector<1x16xf32>
      %swap3A_446 = vector.shape_cast %mul3A_442 : vector<1x16xf32> to vector<1x16xf32>
      tpu.vector_store %arg7[%swap3A, %swap3A_443], %swap3A_446 {add = true, strides = array<i32>} : memref<256x128xf32, #tpu.memory_space<vmem>>, vector<1x16xf32>,
      %get3A_447 = arith.index_cast %add3A_436 : i32 to index
      %get3A_448 = arith.constant 16 : index
      %get3A_449 = tpu.vector_load %arg6[%get3A_447, %get3A_448] {strides = array<i32>} : memref<256x128xf32, #tpu.memory_space<vmem>>, vector<1x16xf32>,
      %get3A_450 = vector.shape_cast %get3A_449 : vector<1x16xf32> to vector<1x16xf32>
      %mul3A_451 = arith.constant 11.3137083 : f32
      %mul3A_452 = vector.broadcast %mul3A_451 : f32 to vector<1x16xf32>
      %mul3A_453 = arith.mulf %get3A_450, %mul3A_452 : vector<1x16xf32>
      %swap3A_454 = arith.index_cast %add3A_436 : i32 to index
      %swap3A_455 = arith.constant 16 : index
      %swap3A_456 = tpu.vector_load %arg7[%swap3A_454, %swap3A_455] {strides = array<i32>} : memref<256x128xf32, #tpu.memory_space<vmem>>, vector<1x16xf32>,
      %swap3A_457 = vector.shape_cast %swap3A_456 : vector<1x16xf32> to vector<1x16xf32>
      %swap3A_458 = vector.shape_cast %mul3A_453 : vector<1x16xf32> to vector<1x16xf32>
      tpu.vector_store %arg7[%swap3A_454, %swap3A_455], %swap3A_458 {add = true, strides = array<i32>} : memref<256x128xf32, #tpu.memory_space<vmem>>, vector<1x16xf32>,
      %get3A_459 = arith.index_cast %add3A_436 : i32 to index
      %get3A_460 = arith.constant 32 : index
      %get3A_461 = tpu.vector_load %arg6[%get3A_459, %get3A_460] {strides = array<i32>} : memref<256x128xf32, #tpu.memory_space<vmem>>, vector<1x16xf32>,
      %get3A_462 = vector.shape_cast %get3A_461 : vector<1x16xf32> to vector<1x16xf32>
      %mul3A_463 = arith.constant 11.3137083 : f32
      %mul3A_464 = vector.broadcast %mul3A_463 : f32 to vector<1x16xf32>
      %mul3A_465 = arith.mulf %get3A_462, %mul3A_464 : vector<1x16xf32>
      %swap3A_466 = arith.index_cast %add3A_436 : i32 to index
      %swap3A_467 = arith.constant 32 : index
      %swap3A_468 = tpu.vector_load %arg7[%swap3A_466, %swap3A_467] {strides = array<i32>} : memref<256x128xf32, #tpu.memory_space<vmem>>, vector<1x16xf32>,
      %swap3A_469 = vector.shape_cast %swap3A_468 : vector<1x16xf32> to vector<1x16xf32>
      %swap3A_470 = vector.shape_cast %mul3A_465 : vector<1x16xf32> to vector<1x16xf32>
      tpu.vector_store %arg7[%swap3A_466, %swap3A_467], %swap3A_470 {add = true, strides = array<i32>} : memref<256x128xf32, #tpu.memory_space<vmem>>, vector<1x16xf32>,
      %get3A_471 = arith.index_cast %add3A_436 : i32 to index
      %get3A_472 = arith.constant 48 : index
      %get3A_473 = tpu.vector_load %arg6[%get3A_471, %get3A_472] {strides = array<i32>} : memref<256x128xf32, #tpu.memory_space<vmem>>, vector<1x16xf32>,
      %get3A_474 = vector.shape_cast %get3A_473 : vector<1x16xf32> to vector<1x16xf32>
      %mul3A_475 = arith.constant 11.3137083 : f32
      %mul3A_476 = vector.broadcast %mul3A_475 : f32 to vector<1x16xf32>
      %mul3A_477 = arith.mulf %get3A_474, %mul3A_476 : vector<1x16xf32>
      %swap3A_478 = arith.index_cast %add3A_436 : i32 to index
      %swap3A_479 = arith.constant 48 : index
      %swap3A_480 = tpu.vector_load %arg7[%swap3A_478, %swap3A_479] {strides = array<i32>} : memref<256x128xf32, #tpu.memory_space<vmem>>, vector<1x16xf32>,
      %swap3A_481 = vector.shape_cast %swap3A_480 : vector<1x16xf32> to vector<1x16xf32>
      %swap3A_482 = vector.shape_cast %mul3A_477 : vector<1x16xf32> to vector<1x16xf32>
      tpu.vector_store %arg7[%swap3A_478, %swap3A_479], %swap3A_482 {add = true, strides = array<i32>} : memref<256x128xf32, #tpu.memory_space<vmem>>, vector<1x16xf32>,
      %get3A_483 = arith.index_cast %add3A_436 : i32 to index
      %get3A_484 = arith.constant 64 : index
      %get3A_485 = tpu.vector_load %arg6[%get3A_483, %get3A_484] {strides = array<i32>} : memref<256x128xf32, #tpu.memory_space<vmem>>, vector<1x16xf32>,
      %get3A_486 = vector.shape_cast %get3A_485 : vector<1x16xf32> to vector<1x16xf32>
      %mul3A_487 = arith.constant 11.3137083 : f32
      %mul3A_488 = vector.broadcast %mul3A_487 : f32 to vector<1x16xf32>
      %mul3A_489 = arith.mulf %get3A_486, %mul3A_488 : vector<1x16xf32>
      %swap3A_490 = arith.index_cast %add3A_436 : i32 to index
      %swap3A_491 = arith.constant 64 : index
      %swap3A_492 = tpu.vector_load %arg7[%swap3A_490, %swap3A_491] {strides = array<i32>} : memref<256x128xf32, #tpu.memory_space<vmem>>, vector<1x16xf32>,
      %swap3A_493 = vector.shape_cast %swap3A_492 : vector<1x16xf32> to vector<1x16xf32>
      %swap3A_494 = vector.shape_cast %mul3A_489 : vector<1x16xf32> to vector<1x16xf32>
      tpu.vector_store %arg7[%swap3A_490, %swap3A_491], %swap3A_494 {add = true, strides = array<i32>} : memref<256x128xf32, #tpu.memory_space<vmem>>, vector<1x16xf32>,
      %get3A_495 = arith.index_cast %add3A_436 : i32 to index
      %get3A_496 = arith.constant 80 : index
      %get3A_497 = tpu.vector_load %arg6[%get3A_495, %get3A_496] {strides = array<i32>} : memref<256x128xf32, #tpu.memory_space<vmem>>, vector<1x16xf32>,
      %get3A_498 = vector.shape_cast %get3A_497 : vector<1x16xf32> to vector<1x16xf32>
      %mul3A_499 = arith.constant 11.3137083 : f32
      %mul3A_500 = vector.broadcast %mul3A_499 : f32 to vector<1x16xf32>
      %mul3A_501 = arith.mulf %get3A_498, %mul3A_500 : vector<1x16xf32>
      %swap3A_502 = arith.index_cast %add3A_436 : i32 to index
      %swap3A_503 = arith.constant 80 : index
      %swap3A_504 = tpu.vector_load %arg7[%swap3A_502, %swap3A_503] {strides = array<i32>} : memref<256x128xf32, #tpu.memory_space<vmem>>, vector<1x16xf32>,
      %swap3A_505 = vector.shape_cast %swap3A_504 : vector<1x16xf32> to vector<1x16xf32>
      %swap3A_506 = vector.shape_cast %mul3A_501 : vector<1x16xf32> to vector<1x16xf32>
      tpu.vector_store %arg7[%swap3A_502, %swap3A_503], %swap3A_506 {add = true, strides = array<i32>} : memref<256x128xf32, #tpu.memory_space<vmem>>, vector<1x16xf32>,
      %get3A_507 = arith.index_cast %add3A_436 : i32 to index
      %get3A_508 = arith.constant 96 : index
      %get3A_509 = tpu.vector_load %arg6[%get3A_507, %get3A_508] {strides = array<i32>} : memref<256x128xf32, #tpu.memory_space<vmem>>, vector<1x16xf32>,
      %get3A_510 = vector.shape_cast %get3A_509 : vector<1x16xf32> to vector<1x16xf32>
      %mul3A_511 = arith.constant 11.3137083 : f32
      %mul3A_512 = vector.broadcast %mul3A_511 : f32 to vector<1x16xf32>
      %mul3A_513 = arith.mulf %get3A_510, %mul3A_512 : vector<1x16xf32>
      %swap3A_514 = arith.index_cast %add3A_436 : i32 to index
      %swap3A_515 = arith.constant 96 : index
      %swap3A_516 = tpu.vector_load %arg7[%swap3A_514, %swap3A_515] {strides = array<i32>} : memref<256x128xf32, #tpu.memory_space<vmem>>, vector<1x16xf32>,
      %swap3A_517 = vector.shape_cast %swap3A_516 : vector<1x16xf32> to vector<1x16xf32>
      %swap3A_518 = vector.shape_cast %mul3A_513 : vector<1x16xf32> to vector<1x16xf32>
      tpu.vector_store %arg7[%swap3A_514, %swap3A_515], %swap3A_518 {add = true, strides = array<i32>} : memref<256x128xf32, #tpu.memory_space<vmem>>, vector<1x16xf32>,
      %get3A_519 = arith.index_cast %add3A_436 : i32 to index
      %get3A_520 = arith.constant 112 : index
      %get3A_521 = tpu.vector_load %arg6[%get3A_519, %get3A_520] {strides = array<i32>} : memref<256x128xf32, #tpu.memory_space<vmem>>, vector<1x16xf32>,
      %get3A_522 = vector.shape_cast %get3A_521 : vector<1x16xf32> to vector<1x16xf32>
      %mul3A_523 = arith.constant 11.3137083 : f32
      %mul3A_524 = vector.broadcast %mul3A_523 : f32 to vector<1x16xf32>
      %mul3A_525 = arith.mulf %get3A_522, %mul3A_524 : vector<1x16xf32>
      %swap3A_526 = arith.index_cast %add3A_436 : i32 to index
      %swap3A_527 = arith.constant 112 : index
      %swap3A_528 = tpu.vector_load %arg7[%swap3A_526, %swap3A_527] {strides = array<i32>} : memref<256x128xf32, #tpu.memory_space<vmem>>, vector<1x16xf32>,
      %swap3A_529 = vector.shape_cast %swap3A_528 : vector<1x16xf32> to vector<1x16xf32>
      %swap3A_530 = vector.shape_cast %mul3A_525 : vector<1x16xf32> to vector<1x16xf32>
      tpu.vector_store %arg7[%swap3A_526, %swap3A_527], %swap3A_530 {add = true, strides = array<i32>} : memref<256x128xf32, #tpu.memory_space<vmem>>, vector<1x16xf32>,
    }
    %scan3A_283 = arith.constant 32 : i32
    %add3A_284 = arith.constant 160 : i32
    %add3A_285 = arith.addi %mul3A_34, %add3A_284 : i32
    %dma_start3A_286 = arith.constant 160 : i32
    %dma_start3A_287 = arith.constant 0 : i32
    %dma_start3A_288 = tpu.memref_slice %arg7[%dma_start3A_286, %dma_start3A_287] : memref<256x128xf32, #tpu.memory_space<vmem>> -> memref<32x128xf32, #tpu.memory_space<vmem>>
    %dma_start3A_289 = arith.constant 0 : i32
    %dma_start3A_290 = tpu.memref_slice %arg4[%add3A_285, %dma_start3A_289] : memref<8192x128xf32, #tpu.memory_space<hbm>> -> memref<32x128xf32, #tpu.memory_space<hbm>>
    %dma_start3A_291 = arith.constant 0 : i32
    %dma_start3A_292 = tpu.memref_slice %arg4[%add3A_285, %dma_start3A_291] : memref<8192x128xf32, #tpu.memory_space<hbm>> -> memref<32x128xf32, #tpu.memory_space<hbm>>
    %dma_start3A_293 = arith.constant 160 : i32
    %dma_start3A_294 = arith.constant 0 : i32
    %dma_start3A_295 = tpu.memref_slice %arg7[%dma_start3A_293, %dma_start3A_294] : memref<256x128xf32, #tpu.memory_space<vmem>> -> memref<32x128xf32, #tpu.memory_space<vmem>>
    tpu.enqueue_dma source(%dma_start3A_295 : memref<32x128xf32, #tpu.memory_space<vmem>>) target(%dma_start3A_292 : memref<32x128xf32, #tpu.memory_space<hbm>>) target_semaphore(%arg11 : memref<!tpu.dma_semaphore, #tpu.memory_space<semaphore_mem>>)
    %dma_wait3A_296 = arith.constant 6 : i32
    %dma_wait3A_297 = arith.constant 192 : i32
    %dma_wait3A_298 = arith.constant 0 : i32
    %dma_wait3A_299 = tpu.memref_slice %arg6[%dma_wait3A_297, %dma_wait3A_298] : memref<256x128xf32, #tpu.memory_space<vmem>> -> memref<32x128xf32, #tpu.memory_space<vmem>>
    %dma_wait3A_300 = arith.constant 192 : i32
    %dma_wait3A_301 = tpu.memref_slice %arg5[%dma_wait3A_300] : memref<256xi32, #tpu.memory_space<vmem>> -> memref<32xi32, #tpu.memory_space<vmem>>
    %dma_wait3A_302 = arith.constant 0 : i32
    %dma_wait3A_303 = arith.constant 0 : i32
    %dma_wait3A_304 = tpu.memref_slice %arg2[%dma_wait3A_302, %dma_wait3A_303] : memref<100000x128xf32, #tpu.memory_space<hbm>> -> memref<100000x128xf32, #tpu.memory_space<hbm>>
    %dma_wait3A_305 = tpu.memref_slice %arg9[%dma_wait3A_296] : memref<8x!tpu.dma_semaphore, #tpu.memory_space<semaphore_mem>> -> memref<1x!tpu.dma_semaphore, #tpu.memory_space<semaphore_mem>>
    %dma_wait3A_306 = tpu.memref_squeeze %dma_wait3A_305 : memref<1x!tpu.dma_semaphore, #tpu.memory_space<semaphore_mem>> -> memref<!tpu.dma_semaphore, #tpu.memory_space<semaphore_mem>>
    tpu.wait_indirect_dma semaphore(%dma_wait3A_306 : memref<!tpu.dma_semaphore, #tpu.memory_space<semaphore_mem>>) src(%dma_wait3A_304 : memref<100000x128xf32, #tpu.memory_space<hbm>>) dst(%dma_wait3A_299 : memref<32x128xf32, #tpu.memory_space<vmem>>)
    %scan3A_307 = arith.constant 0 : i32
    %scan3A_308 = arith.constant 32 : i32
    %scan3A_309 = arith.addi %scan3A_307, %scan3A_308 : i32
    %scan3A_310 = arith.constant 1 : i32
    scf.for %scan3A_432 = %scan3A_307 to %scan3A_309 step %scan3A_310  : i32 {
      %mul3A_433 = arith.constant 1 : i32
      %mul3A_434 = arith.muli %scan3A_432, %mul3A_433 : i32
      %add3A_435 = arith.constant 192 : i32
      %add3A_436 = arith.addi %add3A_435, %mul3A_434 : i32
      %get3A = arith.index_cast %add3A_436 : i32 to index
      %get3A_437 = arith.constant 0 : index
      %get3A_438 = tpu.vector_load %arg6[%get3A, %get3A_437] {strides = array<i32>} : memref<256x128xf32, #tpu.memory_space<vmem>>, vector<1x16xf32>,
      %get3A_439 = vector.shape_cast %get3A_438 : vector<1x16xf32> to vector<1x16xf32>
      %mul3A_440 = arith.constant 11.3137083 : f32
      %mul3A_441 = vector.broadcast %mul3A_440 : f32 to vector<1x16xf32>
      %mul3A_442 = arith.mulf %get3A_439, %mul3A_441 : vector<1x16xf32>
      %swap3A = arith.index_cast %add3A_436 : i32 to index
      %swap3A_443 = arith.constant 0 : index
      %swap3A_444 = tpu.vector_load %arg7[%swap3A, %swap3A_443] {strides = array<i32>} : memref<256x128xf32, #tpu.memory_space<vmem>>, vector<1x16xf32>,
      %swap3A_445 = vector.shape_cast %swap3A_444 : vector<1x16xf32> to vector<1x16xf32>
      %swap3A_446 = vector.shape_cast %mul3A_442 : vector<1x16xf32> to vector<1x16xf32>
      tpu.vector_store %arg7[%swap3A, %swap3A_443], %swap3A_446 {add = true, strides = array<i32>} : memref<256x128xf32, #tpu.memory_space<vmem>>, vector<1x16xf32>,
      %get3A_447 = arith.index_cast %add3A_436 : i32 to index
      %get3A_448 = arith.constant 16 : index
      %get3A_449 = tpu.vector_load %arg6[%get3A_447, %get3A_448] {strides = array<i32>} : memref<256x128xf32, #tpu.memory_space<vmem>>, vector<1x16xf32>,
      %get3A_450 = vector.shape_cast %get3A_449 : vector<1x16xf32> to vector<1x16xf32>
      %mul3A_451 = arith.constant 11.3137083 : f32
      %mul3A_452 = vector.broadcast %mul3A_451 : f32 to vector<1x16xf32>
      %mul3A_453 = arith.mulf %get3A_450, %mul3A_452 : vector<1x16xf32>
      %swap3A_454 = arith.index_cast %add3A_436 : i32 to index
      %swap3A_455 = arith.constant 16 : index
      %swap3A_456 = tpu.vector_load %arg7[%swap3A_454, %swap3A_455] {strides = array<i32>} : memref<256x128xf32, #tpu.memory_space<vmem>>, vector<1x16xf32>,
      %swap3A_457 = vector.shape_cast %swap3A_456 : vector<1x16xf32> to vector<1x16xf32>
      %swap3A_458 = vector.shape_cast %mul3A_453 : vector<1x16xf32> to vector<1x16xf32>
      tpu.vector_store %arg7[%swap3A_454, %swap3A_455], %swap3A_458 {add = true, strides = array<i32>} : memref<256x128xf32, #tpu.memory_space<vmem>>, vector<1x16xf32>,
      %get3A_459 = arith.index_cast %add3A_436 : i32 to index
      %get3A_460 = arith.constant 32 : index
      %get3A_461 = tpu.vector_load %arg6[%get3A_459, %get3A_460] {strides = array<i32>} : memref<256x128xf32, #tpu.memory_space<vmem>>, vector<1x16xf32>,
      %get3A_462 = vector.shape_cast %get3A_461 : vector<1x16xf32> to vector<1x16xf32>
      %mul3A_463 = arith.constant 11.3137083 : f32
      %mul3A_464 = vector.broadcast %mul3A_463 : f32 to vector<1x16xf32>
      %mul3A_465 = arith.mulf %get3A_462, %mul3A_464 : vector<1x16xf32>
      %swap3A_466 = arith.index_cast %add3A_436 : i32 to index
      %swap3A_467 = arith.constant 32 : index
      %swap3A_468 = tpu.vector_load %arg7[%swap3A_466, %swap3A_467] {strides = array<i32>} : memref<256x128xf32, #tpu.memory_space<vmem>>, vector<1x16xf32>,
      %swap3A_469 = vector.shape_cast %swap3A_468 : vector<1x16xf32> to vector<1x16xf32>
      %swap3A_470 = vector.shape_cast %mul3A_465 : vector<1x16xf32> to vector<1x16xf32>
      tpu.vector_store %arg7[%swap3A_466, %swap3A_467], %swap3A_470 {add = true, strides = array<i32>} : memref<256x128xf32, #tpu.memory_space<vmem>>, vector<1x16xf32>,
      %get3A_471 = arith.index_cast %add3A_436 : i32 to index
      %get3A_472 = arith.constant 48 : index
      %get3A_473 = tpu.vector_load %arg6[%get3A_471, %get3A_472] {strides = array<i32>} : memref<256x128xf32, #tpu.memory_space<vmem>>, vector<1x16xf32>,
      %get3A_474 = vector.shape_cast %get3A_473 : vector<1x16xf32> to vector<1x16xf32>
      %mul3A_475 = arith.constant 11.3137083 : f32
      %mul3A_476 = vector.broadcast %mul3A_475 : f32 to vector<1x16xf32>
      %mul3A_477 = arith.mulf %get3A_474, %mul3A_476 : vector<1x16xf32>
      %swap3A_478 = arith.index_cast %add3A_436 : i32 to index
      %swap3A_479 = arith.constant 48 : index
      %swap3A_480 = tpu.vector_load %arg7[%swap3A_478, %swap3A_479] {strides = array<i32>} : memref<256x128xf32, #tpu.memory_space<vmem>>, vector<1x16xf32>,
      %swap3A_481 = vector.shape_cast %swap3A_480 : vector<1x16xf32> to vector<1x16xf32>
      %swap3A_482 = vector.shape_cast %mul3A_477 : vector<1x16xf32> to vector<1x16xf32>
      tpu.vector_store %arg7[%swap3A_478, %swap3A_479], %swap3A_482 {add = true, strides = array<i32>} : memref<256x128xf32, #tpu.memory_space<vmem>>, vector<1x16xf32>,
      %get3A_483 = arith.index_cast %add3A_436 : i32 to index
      %get3A_484 = arith.constant 64 : index
      %get3A_485 = tpu.vector_load %arg6[%get3A_483, %get3A_484] {strides = array<i32>} : memref<256x128xf32, #tpu.memory_space<vmem>>, vector<1x16xf32>,
      %get3A_486 = vector.shape_cast %get3A_485 : vector<1x16xf32> to vector<1x16xf32>
      %mul3A_487 = arith.constant 11.3137083 : f32
      %mul3A_488 = vector.broadcast %mul3A_487 : f32 to vector<1x16xf32>
      %mul3A_489 = arith.mulf %get3A_486, %mul3A_488 : vector<1x16xf32>
      %swap3A_490 = arith.index_cast %add3A_436 : i32 to index
      %swap3A_491 = arith.constant 64 : index
      %swap3A_492 = tpu.vector_load %arg7[%swap3A_490, %swap3A_491] {strides = array<i32>} : memref<256x128xf32, #tpu.memory_space<vmem>>, vector<1x16xf32>,
      %swap3A_493 = vector.shape_cast %swap3A_492 : vector<1x16xf32> to vector<1x16xf32>
      %swap3A_494 = vector.shape_cast %mul3A_489 : vector<1x16xf32> to vector<1x16xf32>
      tpu.vector_store %arg7[%swap3A_490, %swap3A_491], %swap3A_494 {add = true, strides = array<i32>} : memref<256x128xf32, #tpu.memory_space<vmem>>, vector<1x16xf32>,
      %get3A_495 = arith.index_cast %add3A_436 : i32 to index
      %get3A_496 = arith.constant 80 : index
      %get3A_497 = tpu.vector_load %arg6[%get3A_495, %get3A_496] {strides = array<i32>} : memref<256x128xf32, #tpu.memory_space<vmem>>, vector<1x16xf32>,
      %get3A_498 = vector.shape_cast %get3A_497 : vector<1x16xf32> to vector<1x16xf32>
      %mul3A_499 = arith.constant 11.3137083 : f32
      %mul3A_500 = vector.broadcast %mul3A_499 : f32 to vector<1x16xf32>
      %mul3A_501 = arith.mulf %get3A_498, %mul3A_500 : vector<1x16xf32>
      %swap3A_502 = arith.index_cast %add3A_436 : i32 to index
      %swap3A_503 = arith.constant 80 : index
      %swap3A_504 = tpu.vector_load %arg7[%swap3A_502, %swap3A_503] {strides = array<i32>} : memref<256x128xf32, #tpu.memory_space<vmem>>, vector<1x16xf32>,
      %swap3A_505 = vector.shape_cast %swap3A_504 : vector<1x16xf32> to vector<1x16xf32>
      %swap3A_506 = vector.shape_cast %mul3A_501 : vector<1x16xf32> to vector<1x16xf32>
      tpu.vector_store %arg7[%swap3A_502, %swap3A_503], %swap3A_506 {add = true, strides = array<i32>} : memref<256x128xf32, #tpu.memory_space<vmem>>, vector<1x16xf32>,
      %get3A_507 = arith.index_cast %add3A_436 : i32 to index
      %get3A_508 = arith.constant 96 : index
      %get3A_509 = tpu.vector_load %arg6[%get3A_507, %get3A_508] {strides = array<i32>} : memref<256x128xf32, #tpu.memory_space<vmem>>, vector<1x16xf32>,
      %get3A_510 = vector.shape_cast %get3A_509 : vector<1x16xf32> to vector<1x16xf32>
      %mul3A_511 = arith.constant 11.3137083 : f32
      %mul3A_512 = vector.broadcast %mul3A_511 : f32 to vector<1x16xf32>
      %mul3A_513 = arith.mulf %get3A_510, %mul3A_512 : vector<1x16xf32>
      %swap3A_514 = arith.index_cast %add3A_436 : i32 to index
      %swap3A_515 = arith.constant 96 : index
      %swap3A_516 = tpu.vector_load %arg7[%swap3A_514, %swap3A_515] {strides = array<i32>} : memref<256x128xf32, #tpu.memory_space<vmem>>, vector<1x16xf32>,
      %swap3A_517 = vector.shape_cast %swap3A_516 : vector<1x16xf32> to vector<1x16xf32>
      %swap3A_518 = vector.shape_cast %mul3A_513 : vector<1x16xf32> to vector<1x16xf32>
      tpu.vector_store %arg7[%swap3A_514, %swap3A_515], %swap3A_518 {add = true, strides = array<i32>} : memref<256x128xf32, #tpu.memory_space<vmem>>, vector<1x16xf32>,
      %get3A_519 = arith.index_cast %add3A_436 : i32 to index
      %get3A_520 = arith.constant 112 : index
      %get3A_521 = tpu.vector_load %arg6[%get3A_519, %get3A_520] {strides = array<i32>} : memref<256x128xf32, #tpu.memory_space<vmem>>, vector<1x16xf32>,
      %get3A_522 = vector.shape_cast %get3A_521 : vector<1x16xf32> to vector<1x16xf32>
      %mul3A_523 = arith.constant 11.3137083 : f32
      %mul3A_524 = vector.broadcast %mul3A_523 : f32 to vector<1x16xf32>
      %mul3A_525 = arith.mulf %get3A_522, %mul3A_524 : vector<1x16xf32>
      %swap3A_526 = arith.index_cast %add3A_436 : i32 to index
      %swap3A_527 = arith.constant 112 : index
      %swap3A_528 = tpu.vector_load %arg7[%swap3A_526, %swap3A_527] {strides = array<i32>} : memref<256x128xf32, #tpu.memory_space<vmem>>, vector<1x16xf32>,
      %swap3A_529 = vector.shape_cast %swap3A_528 : vector<1x16xf32> to vector<1x16xf32>
      %swap3A_530 = vector.shape_cast %mul3A_525 : vector<1x16xf32> to vector<1x16xf32>
      tpu.vector_store %arg7[%swap3A_526, %swap3A_527], %swap3A_530 {add = true, strides = array<i32>} : memref<256x128xf32, #tpu.memory_space<vmem>>, vector<1x16xf32>,
    }
    %scan3A_311 = arith.constant 32 : i32
    %add3A_312 = arith.constant 192 : i32
    %add3A_313 = arith.addi %mul3A_34, %add3A_312 : i32
    %dma_start3A_314 = arith.constant 192 : i32
    %dma_start3A_315 = arith.constant 0 : i32
    %dma_start3A_316 = tpu.memref_slice %arg7[%dma_start3A_314, %dma_start3A_315] : memref<256x128xf32, #tpu.memory_space<vmem>> -> memref<32x128xf32, #tpu.memory_space<vmem>>
    %dma_start3A_317 = arith.constant 0 : i32
    %dma_start3A_318 = tpu.memref_slice %arg4[%add3A_313, %dma_start3A_317] : memref<8192x128xf32, #tpu.memory_space<hbm>> -> memref<32x128xf32, #tpu.memory_space<hbm>>
    %dma_start3A_319 = arith.constant 0 : i32
    %dma_start3A_320 = tpu.memref_slice %arg4[%add3A_313, %dma_start3A_319] : memref<8192x128xf32, #tpu.memory_space<hbm>> -> memref<32x128xf32, #tpu.memory_space<hbm>>
    %dma_start3A_321 = arith.constant 192 : i32
    %dma_start3A_322 = arith.constant 0 : i32
    %dma_start3A_323 = tpu.memref_slice %arg7[%dma_start3A_321, %dma_start3A_322] : memref<256x128xf32, #tpu.memory_space<vmem>> -> memref<32x128xf32, #tpu.memory_space<vmem>>
    tpu.enqueue_dma source(%dma_start3A_323 : memref<32x128xf32, #tpu.memory_space<vmem>>) target(%dma_start3A_320 : memref<32x128xf32, #tpu.memory_space<hbm>>) target_semaphore(%arg11 : memref<!tpu.dma_semaphore, #tpu.memory_space<semaphore_mem>>)
    %dma_wait3A_324 = arith.constant 7 : i32
    %dma_wait3A_325 = arith.constant 224 : i32
    %dma_wait3A_326 = arith.constant 0 : i32
    %dma_wait3A_327 = tpu.memref_slice %arg6[%dma_wait3A_325, %dma_wait3A_326] : memref<256x128xf32, #tpu.memory_space<vmem>> -> memref<32x128xf32, #tpu.memory_space<vmem>>
    %dma_wait3A_328 = arith.constant 224 : i32
    %dma_wait3A_329 = tpu.memref_slice %arg5[%dma_wait3A_328] : memref<256xi32, #tpu.memory_space<vmem>> -> memref<32xi32, #tpu.memory_space<vmem>>
    %dma_wait3A_330 = arith.constant 0 : i32
    %dma_wait3A_331 = arith.constant 0 : i32
    %dma_wait3A_332 = tpu.memref_slice %arg2[%dma_wait3A_330, %dma_wait3A_331] : memref<100000x128xf32, #tpu.memory_space<hbm>> -> memref<100000x128xf32, #tpu.memory_space<hbm>>
    %dma_wait3A_333 = tpu.memref_slice %arg9[%dma_wait3A_324] : memref<8x!tpu.dma_semaphore, #tpu.memory_space<semaphore_mem>> -> memref<1x!tpu.dma_semaphore, #tpu.memory_space<semaphore_mem>>
    %dma_wait3A_334 = tpu.memref_squeeze %dma_wait3A_333 : memref<1x!tpu.dma_semaphore, #tpu.memory_space<semaphore_mem>> -> memref<!tpu.dma_semaphore, #tpu.memory_space<semaphore_mem>>
    tpu.wait_indirect_dma semaphore(%dma_wait3A_334 : memref<!tpu.dma_semaphore, #tpu.memory_space<semaphore_mem>>) src(%dma_wait3A_332 : memref<100000x128xf32, #tpu.memory_space<hbm>>) dst(%dma_wait3A_327 : memref<32x128xf32, #tpu.memory_space<vmem>>)
    %scan3A_335 = arith.constant 0 : i32
    %scan3A_336 = arith.constant 32 : i32
    %scan3A_337 = arith.addi %scan3A_335, %scan3A_336 : i32
    %scan3A_338 = arith.constant 1 : i32
    scf.for %scan3A_432 = %scan3A_335 to %scan3A_337 step %scan3A_338  : i32 {
      %mul3A_433 = arith.constant 1 : i32
      %mul3A_434 = arith.muli %scan3A_432, %mul3A_433 : i32
      %add3A_435 = arith.constant 224 : i32
      %add3A_436 = arith.addi %add3A_435, %mul3A_434 : i32
      %get3A = arith.index_cast %add3A_436 : i32 to index
      %get3A_437 = arith.constant 0 : index
      %get3A_438 = tpu.vector_load %arg6[%get3A, %get3A_437] {strides = array<i32>} : memref<256x128xf32, #tpu.memory_space<vmem>>, vector<1x16xf32>,
      %get3A_439 = vector.shape_cast %get3A_438 : vector<1x16xf32> to vector<1x16xf32>
      %mul3A_440 = arith.constant 11.3137083 : f32
      %mul3A_441 = vector.broadcast %mul3A_440 : f32 to vector<1x16xf32>
      %mul3A_442 = arith.mulf %get3A_439, %mul3A_441 : vector<1x16xf32>
      %swap3A = arith.index_cast %add3A_436 : i32 to index
      %swap3A_443 = arith.constant 0 : index
      %swap3A_444 = tpu.vector_load %arg7[%swap3A, %swap3A_443] {strides = array<i32>} : memref<256x128xf32, #tpu.memory_space<vmem>>, vector<1x16xf32>,
      %swap3A_445 = vector.shape_cast %swap3A_444 : vector<1x16xf32> to vector<1x16xf32>
      %swap3A_446 = vector.shape_cast %mul3A_442 : vector<1x16xf32> to vector<1x16xf32>
      tpu.vector_store %arg7[%swap3A, %swap3A_443], %swap3A_446 {add = true, strides = array<i32>} : memref<256x128xf32, #tpu.memory_space<vmem>>, vector<1x16xf32>,
      %get3A_447 = arith.index_cast %add3A_436 : i32 to index
      %get3A_448 = arith.constant 16 : index
      %get3A_449 = tpu.vector_load %arg6[%get3A_447, %get3A_448] {strides = array<i32>} : memref<256x128xf32, #tpu.memory_space<vmem>>, vector<1x16xf32>,
      %get3A_450 = vector.shape_cast %get3A_449 : vector<1x16xf32> to vector<1x16xf32>
      %mul3A_451 = arith.constant 11.3137083 : f32
      %mul3A_452 = vector.broadcast %mul3A_451 : f32 to vector<1x16xf32>
      %mul3A_453 = arith.mulf %get3A_450, %mul3A_452 : vector<1x16xf32>
      %swap3A_454 = arith.index_cast %add3A_436 : i32 to index
      %swap3A_455 = arith.constant 16 : index
      %swap3A_456 = tpu.vector_load %arg7[%swap3A_454, %swap3A_455] {strides = array<i32>} : memref<256x128xf32, #tpu.memory_space<vmem>>, vector<1x16xf32>,
      %swap3A_457 = vector.shape_cast %swap3A_456 : vector<1x16xf32> to vector<1x16xf32>
      %swap3A_458 = vector.shape_cast %mul3A_453 : vector<1x16xf32> to vector<1x16xf32>
      tpu.vector_store %arg7[%swap3A_454, %swap3A_455], %swap3A_458 {add = true, strides = array<i32>} : memref<256x128xf32, #tpu.memory_space<vmem>>, vector<1x16xf32>,
      %get3A_459 = arith.index_cast %add3A_436 : i32 to index
      %get3A_460 = arith.constant 32 : index
      %get3A_461 = tpu.vector_load %arg6[%get3A_459, %get3A_460] {strides = array<i32>} : memref<256x128xf32, #tpu.memory_space<vmem>>, vector<1x16xf32>,
      %get3A_462 = vector.shape_cast %get3A_461 : vector<1x16xf32> to vector<1x16xf32>
      %mul3A_463 = arith.constant 11.3137083 : f32
      %mul3A_464 = vector.broadcast %mul3A_463 : f32 to vector<1x16xf32>
      %mul3A_465 = arith.mulf %get3A_462, %mul3A_464 : vector<1x16xf32>
      %swap3A_466 = arith.index_cast %add3A_436 : i32 to index
      %swap3A_467 = arith.constant 32 : index
      %swap3A_468 = tpu.vector_load %arg7[%swap3A_466, %swap3A_467] {strides = array<i32>} : memref<256x128xf32, #tpu.memory_space<vmem>>, vector<1x16xf32>,
      %swap3A_469 = vector.shape_cast %swap3A_468 : vector<1x16xf32> to vector<1x16xf32>
      %swap3A_470 = vector.shape_cast %mul3A_465 : vector<1x16xf32> to vector<1x16xf32>
      tpu.vector_store %arg7[%swap3A_466, %swap3A_467], %swap3A_470 {add = true, strides = array<i32>} : memref<256x128xf32, #tpu.memory_space<vmem>>, vector<1x16xf32>,
      %get3A_471 = arith.index_cast %add3A_436 : i32 to index
      %get3A_472 = arith.constant 48 : index
      %get3A_473 = tpu.vector_load %arg6[%get3A_471, %get3A_472] {strides = array<i32>} : memref<256x128xf32, #tpu.memory_space<vmem>>, vector<1x16xf32>,
      %get3A_474 = vector.shape_cast %get3A_473 : vector<1x16xf32> to vector<1x16xf32>
      %mul3A_475 = arith.constant 11.3137083 : f32
      %mul3A_476 = vector.broadcast %mul3A_475 : f32 to vector<1x16xf32>
      %mul3A_477 = arith.mulf %get3A_474, %mul3A_476 : vector<1x16xf32>
      %swap3A_478 = arith.index_cast %add3A_436 : i32 to index
      %swap3A_479 = arith.constant 48 : index
      %swap3A_480 = tpu.vector_load %arg7[%swap3A_478, %swap3A_479] {strides = array<i32>} : memref<256x128xf32, #tpu.memory_space<vmem>>, vector<1x16xf32>,
      %swap3A_481 = vector.shape_cast %swap3A_480 : vector<1x16xf32> to vector<1x16xf32>
      %swap3A_482 = vector.shape_cast %mul3A_477 : vector<1x16xf32> to vector<1x16xf32>
      tpu.vector_store %arg7[%swap3A_478, %swap3A_479], %swap3A_482 {add = true, strides = array<i32>} : memref<256x128xf32, #tpu.memory_space<vmem>>, vector<1x16xf32>,
      %get3A_483 = arith.index_cast %add3A_436 : i32 to index
      %get3A_484 = arith.constant 64 : index
      %get3A_485 = tpu.vector_load %arg6[%get3A_483, %get3A_484] {strides = array<i32>} : memref<256x128xf32, #tpu.memory_space<vmem>>, vector<1x16xf32>,
      %get3A_486 = vector.shape_cast %get3A_485 : vector<1x16xf32> to vector<1x16xf32>
      %mul3A_487 = arith.constant 11.3137083 : f32
      %mul3A_488 = vector.broadcast %mul3A_487 : f32 to vector<1x16xf32>
      %mul3A_489 = arith.mulf %get3A_486, %mul3A_488 : vector<1x16xf32>
      %swap3A_490 = arith.index_cast %add3A_436 : i32 to index
      %swap3A_491 = arith.constant 64 : index
      %swap3A_492 = tpu.vector_load %arg7[%swap3A_490, %swap3A_491] {strides = array<i32>} : memref<256x128xf32, #tpu.memory_space<vmem>>, vector<1x16xf32>,
      %swap3A_493 = vector.shape_cast %swap3A_492 : vector<1x16xf32> to vector<1x16xf32>
      %swap3A_494 = vector.shape_cast %mul3A_489 : vector<1x16xf32> to vector<1x16xf32>
      tpu.vector_store %arg7[%swap3A_490, %swap3A_491], %swap3A_494 {add = true, strides = array<i32>} : memref<256x128xf32, #tpu.memory_space<vmem>>, vector<1x16xf32>,
      %get3A_495 = arith.index_cast %add3A_436 : i32 to index
      %get3A_496 = arith.constant 80 : index
      %get3A_497 = tpu.vector_load %arg6[%get3A_495, %get3A_496] {strides = array<i32>} : memref<256x128xf32, #tpu.memory_space<vmem>>, vector<1x16xf32>,
      %get3A_498 = vector.shape_cast %get3A_497 : vector<1x16xf32> to vector<1x16xf32>
      %mul3A_499 = arith.constant 11.3137083 : f32
      %mul3A_500 = vector.broadcast %mul3A_499 : f32 to vector<1x16xf32>
      %mul3A_501 = arith.mulf %get3A_498, %mul3A_500 : vector<1x16xf32>
      %swap3A_502 = arith.index_cast %add3A_436 : i32 to index
      %swap3A_503 = arith.constant 80 : index
      %swap3A_504 = tpu.vector_load %arg7[%swap3A_502, %swap3A_503] {strides = array<i32>} : memref<256x128xf32, #tpu.memory_space<vmem>>, vector<1x16xf32>,
      %swap3A_505 = vector.shape_cast %swap3A_504 : vector<1x16xf32> to vector<1x16xf32>
      %swap3A_506 = vector.shape_cast %mul3A_501 : vector<1x16xf32> to vector<1x16xf32>
      tpu.vector_store %arg7[%swap3A_502, %swap3A_503], %swap3A_506 {add = true, strides = array<i32>} : memref<256x128xf32, #tpu.memory_space<vmem>>, vector<1x16xf32>,
      %get3A_507 = arith.index_cast %add3A_436 : i32 to index
      %get3A_508 = arith.constant 96 : index
      %get3A_509 = tpu.vector_load %arg6[%get3A_507, %get3A_508] {strides = array<i32>} : memref<256x128xf32, #tpu.memory_space<vmem>>, vector<1x16xf32>,
      %get3A_510 = vector.shape_cast %get3A_509 : vector<1x16xf32> to vector<1x16xf32>
      %mul3A_511 = arith.constant 11.3137083 : f32
      %mul3A_512 = vector.broadcast %mul3A_511 : f32 to vector<1x16xf32>
      %mul3A_513 = arith.mulf %get3A_510, %mul3A_512 : vector<1x16xf32>
      %swap3A_514 = arith.index_cast %add3A_436 : i32 to index
      %swap3A_515 = arith.constant 96 : index
      %swap3A_516 = tpu.vector_load %arg7[%swap3A_514, %swap3A_515] {strides = array<i32>} : memref<256x128xf32, #tpu.memory_space<vmem>>, vector<1x16xf32>,
      %swap3A_517 = vector.shape_cast %swap3A_516 : vector<1x16xf32> to vector<1x16xf32>
      %swap3A_518 = vector.shape_cast %mul3A_513 : vector<1x16xf32> to vector<1x16xf32>
      tpu.vector_store %arg7[%swap3A_514, %swap3A_515], %swap3A_518 {add = true, strides = array<i32>} : memref<256x128xf32, #tpu.memory_space<vmem>>, vector<1x16xf32>,
      %get3A_519 = arith.index_cast %add3A_436 : i32 to index
      %get3A_520 = arith.constant 112 : index
      %get3A_521 = tpu.vector_load %arg6[%get3A_519, %get3A_520] {strides = array<i32>} : memref<256x128xf32, #tpu.memory_space<vmem>>, vector<1x16xf32>,
      %get3A_522 = vector.shape_cast %get3A_521 : vector<1x16xf32> to vector<1x16xf32>
      %mul3A_523 = arith.constant 11.3137083 : f32
      %mul3A_524 = vector.broadcast %mul3A_523 : f32 to vector<1x16xf32>
      %mul3A_525 = arith.mulf %get3A_522, %mul3A_524 : vector<1x16xf32>
      %swap3A_526 = arith.index_cast %add3A_436 : i32 to index
      %swap3A_527 = arith.constant 112 : index
      %swap3A_528 = tpu.vector_load %arg7[%swap3A_526, %swap3A_527] {strides = array<i32>} : memref<256x128xf32, #tpu.memory_space<vmem>>, vector<1x16xf32>,
      %swap3A_529 = vector.shape_cast %swap3A_528 : vector<1x16xf32> to vector<1x16xf32>
      %swap3A_530 = vector.shape_cast %mul3A_525 : vector<1x16xf32> to vector<1x16xf32>
      tpu.vector_store %arg7[%swap3A_526, %swap3A_527], %swap3A_530 {add = true, strides = array<i32>} : memref<256x128xf32, #tpu.memory_space<vmem>>, vector<1x16xf32>,
    }
    %scan3A_339 = arith.constant 32 : i32
    %add3A_340 = arith.constant 224 : i32
    %add3A_341 = arith.addi %mul3A_34, %add3A_340 : i32
    %dma_start3A_342 = arith.constant 224 : i32
    %dma_start3A_343 = arith.constant 0 : i32
    %dma_start3A_344 = tpu.memref_slice %arg7[%dma_start3A_342, %dma_start3A_343] : memref<256x128xf32, #tpu.memory_space<vmem>> -> memref<32x128xf32, #tpu.memory_space<vmem>>
    %dma_start3A_345 = arith.constant 0 : i32
    %dma_start3A_346 = tpu.memref_slice %arg4[%add3A_341, %dma_start3A_345] : memref<8192x128xf32, #tpu.memory_space<hbm>> -> memref<32x128xf32, #tpu.memory_space<hbm>>
    %dma_start3A_347 = arith.constant 0 : i32
    %dma_start3A_348 = tpu.memref_slice %arg4[%add3A_341, %dma_start3A_347] : memref<8192x128xf32, #tpu.memory_space<hbm>> -> memref<32x128xf32, #tpu.memory_space<hbm>>
    %dma_start3A_349 = arith.constant 224 : i32
    %dma_start3A_350 = arith.constant 0 : i32
    %dma_start3A_351 = tpu.memref_slice %arg7[%dma_start3A_349, %dma_start3A_350] : memref<256x128xf32, #tpu.memory_space<vmem>> -> memref<32x128xf32, #tpu.memory_space<vmem>>
    tpu.enqueue_dma source(%dma_start3A_351 : memref<32x128xf32, #tpu.memory_space<vmem>>) target(%dma_start3A_348 : memref<32x128xf32, #tpu.memory_space<hbm>>) target_semaphore(%arg11 : memref<!tpu.dma_semaphore, #tpu.memory_space<semaphore_mem>>)
    %dma_wait3A_352 = arith.constant 0 : i32
    %dma_wait3A_353 = arith.constant 0 : i32
    %dma_wait3A_354 = tpu.memref_slice %arg7[%dma_wait3A_352, %dma_wait3A_353] : memref<256x128xf32, #tpu.memory_space<vmem>> -> memref<32x128xf32, #tpu.memory_space<vmem>>
    %dma_wait3A_355 = arith.constant 0 : i32
    %dma_wait3A_356 = tpu.memref_slice %arg4[%add3A_145, %dma_wait3A_355] : memref<8192x128xf32, #tpu.memory_space<hbm>> -> memref<32x128xf32, #tpu.memory_space<hbm>>
    %dma_wait3A_357 = arith.constant 0 : i32
    %dma_wait3A_358 = tpu.memref_slice %arg4[%add3A_145, %dma_wait3A_357] : memref<8192x128xf32, #tpu.memory_space<hbm>> -> memref<32x128xf32, #tpu.memory_space<hbm>>
    %dma_wait3A_359 = arith.constant 0 : i32
    %dma_wait3A_360 = arith.constant 0 : i32
    %dma_wait3A_361 = tpu.memref_slice %arg7[%dma_wait3A_359, %dma_wait3A_360] : memref<256x128xf32, #tpu.memory_space<vmem>> -> memref<32x128xf32, #tpu.memory_space<vmem>>
    tpu.wait_dma2 semaphore(%arg11 : memref<!tpu.dma_semaphore, #tpu.memory_space<semaphore_mem>>) src(%dma_wait3A_361 : memref<32x128xf32, #tpu.memory_space<vmem>>) dst(%dma_wait3A_358 : memref<32x128xf32, #tpu.memory_space<hbm>>)
    %dma_wait3A_362 = arith.constant 32 : i32
    %dma_wait3A_363 = arith.constant 0 : i32
    %dma_wait3A_364 = tpu.memref_slice %arg7[%dma_wait3A_362, %dma_wait3A_363] : memref<256x128xf32, #tpu.memory_space<vmem>> -> memref<32x128xf32, #tpu.memory_space<vmem>>
    %dma_wait3A_365 = arith.constant 0 : i32
    %dma_wait3A_366 = tpu.memref_slice %arg4[%add3A_173, %dma_wait3A_365] : memref<8192x128xf32, #tpu.memory_space<hbm>> -> memref<32x128xf32, #tpu.memory_space<hbm>>
    %dma_wait3A_367 = arith.constant 0 : i32
    %dma_wait3A_368 = tpu.memref_slice %arg4[%add3A_173, %dma_wait3A_367] : memref<8192x128xf32, #tpu.memory_space<hbm>> -> memref<32x128xf32, #tpu.memory_space<hbm>>
    %dma_wait3A_369 = arith.constant 32 : i32
    %dma_wait3A_370 = arith.constant 0 : i32
    %dma_wait3A_371 = tpu.memref_slice %arg7[%dma_wait3A_369, %dma_wait3A_370] : memref<256x128xf32, #tpu.memory_space<vmem>> -> memref<32x128xf32, #tpu.memory_space<vmem>>
    tpu.wait_dma2 semaphore(%arg11 : memref<!tpu.dma_semaphore, #tpu.memory_space<semaphore_mem>>) src(%dma_wait3A_371 : memref<32x128xf32, #tpu.memory_space<vmem>>) dst(%dma_wait3A_368 : memref<32x128xf32, #tpu.memory_space<hbm>>)
    %dma_wait3A_372 = arith.constant 64 : i32
    %dma_wait3A_373 = arith.constant 0 : i32
    %dma_wait3A_374 = tpu.memref_slice %arg7[%dma_wait3A_372, %dma_wait3A_373] : memref<256x128xf32, #tpu.memory_space<vmem>> -> memref<32x128xf32, #tpu.memory_space<vmem>>
    %dma_wait3A_375 = arith.constant 0 : i32
    %dma_wait3A_376 = tpu.memref_slice %arg4[%add3A_201, %dma_wait3A_375] : memref<8192x128xf32, #tpu.memory_space<hbm>> -> memref<32x128xf32, #tpu.memory_space<hbm>>
    %dma_wait3A_377 = arith.constant 0 : i32
    %dma_wait3A_378 = tpu.memref_slice %arg4[%add3A_201, %dma_wait3A_377] : memref<8192x128xf32, #tpu.memory_space<hbm>> -> memref<32x128xf32, #tpu.memory_space<hbm>>
    %dma_wait3A_379 = arith.constant 64 : i32
    %dma_wait3A_380 = arith.constant 0 : i32
    %dma_wait3A_381 = tpu.memref_slice %arg7[%dma_wait3A_379, %dma_wait3A_380] : memref<256x128xf32, #tpu.memory_space<vmem>> -> memref<32x128xf32, #tpu.memory_space<vmem>>
    tpu.wait_dma2 semaphore(%arg11 : memref<!tpu.dma_semaphore, #tpu.memory_space<semaphore_mem>>) src(%dma_wait3A_381 : memref<32x128xf32, #tpu.memory_space<vmem>>) dst(%dma_wait3A_378 : memref<32x128xf32, #tpu.memory_space<hbm>>)
    %dma_wait3A_382 = arith.constant 96 : i32
    %dma_wait3A_383 = arith.constant 0 : i32
    %dma_wait3A_384 = tpu.memref_slice %arg7[%dma_wait3A_382, %dma_wait3A_383] : memref<256x128xf32, #tpu.memory_space<vmem>> -> memref<32x128xf32, #tpu.memory_space<vmem>>
    %dma_wait3A_385 = arith.constant 0 : i32
    %dma_wait3A_386 = tpu.memref_slice %arg4[%add3A_229, %dma_wait3A_385] : memref<8192x128xf32, #tpu.memory_space<hbm>> -> memref<32x128xf32, #tpu.memory_space<hbm>>
    %dma_wait3A_387 = arith.constant 0 : i32
    %dma_wait3A_388 = tpu.memref_slice %arg4[%add3A_229, %dma_wait3A_387] : memref<8192x128xf32, #tpu.memory_space<hbm>> -> memref<32x128xf32, #tpu.memory_space<hbm>>
    %dma_wait3A_389 = arith.constant 96 : i32
    %dma_wait3A_390 = arith.constant 0 : i32
    %dma_wait3A_391 = tpu.memref_slice %arg7[%dma_wait3A_389, %dma_wait3A_390] : memref<256x128xf32, #tpu.memory_space<vmem>> -> memref<32x128xf32, #tpu.memory_space<vmem>>
    tpu.wait_dma2 semaphore(%arg11 : memref<!tpu.dma_semaphore, #tpu.memory_space<semaphore_mem>>) src(%dma_wait3A_391 : memref<32x128xf32, #tpu.memory_space<vmem>>) dst(%dma_wait3A_388 : memref<32x128xf32, #tpu.memory_space<hbm>>)
    %dma_wait3A_392 = arith.constant 128 : i32
    %dma_wait3A_393 = arith.constant 0 : i32
    %dma_wait3A_394 = tpu.memref_slice %arg7[%dma_wait3A_392, %dma_wait3A_393] : memref<256x128xf32, #tpu.memory_space<vmem>> -> memref<32x128xf32, #tpu.memory_space<vmem>>
    %dma_wait3A_395 = arith.constant 0 : i32
    %dma_wait3A_396 = tpu.memref_slice %arg4[%add3A_257, %dma_wait3A_395] : memref<8192x128xf32, #tpu.memory_space<hbm>> -> memref<32x128xf32, #tpu.memory_space<hbm>>
    %dma_wait3A_397 = arith.constant 0 : i32
    %dma_wait3A_398 = tpu.memref_slice %arg4[%add3A_257, %dma_wait3A_397] : memref<8192x128xf32, #tpu.memory_space<hbm>> -> memref<32x128xf32, #tpu.memory_space<hbm>>
    %dma_wait3A_399 = arith.constant 128 : i32
    %dma_wait3A_400 = arith.constant 0 : i32
    %dma_wait3A_401 = tpu.memref_slice %arg7[%dma_wait3A_399, %dma_wait3A_400] : memref<256x128xf32, #tpu.memory_space<vmem>> -> memref<32x128xf32, #tpu.memory_space<vmem>>
    tpu.wait_dma2 semaphore(%arg11 : memref<!tpu.dma_semaphore, #tpu.memory_space<semaphore_mem>>) src(%dma_wait3A_401 : memref<32x128xf32, #tpu.memory_space<vmem>>) dst(%dma_wait3A_398 : memref<32x128xf32, #tpu.memory_space<hbm>>)
    %dma_wait3A_402 = arith.constant 160 : i32
    %dma_wait3A_403 = arith.constant 0 : i32
    %dma_wait3A_404 = tpu.memref_slice %arg7[%dma_wait3A_402, %dma_wait3A_403] : memref<256x128xf32, #tpu.memory_space<vmem>> -> memref<32x128xf32, #tpu.memory_space<vmem>>
    %dma_wait3A_405 = arith.constant 0 : i32
    %dma_wait3A_406 = tpu.memref_slice %arg4[%add3A_285, %dma_wait3A_405] : memref<8192x128xf32, #tpu.memory_space<hbm>> -> memref<32x128xf32, #tpu.memory_space<hbm>>
    %dma_wait3A_407 = arith.constant 0 : i32
    %dma_wait3A_408 = tpu.memref_slice %arg4[%add3A_285, %dma_wait3A_407] : memref<8192x128xf32, #tpu.memory_space<hbm>> -> memref<32x128xf32, #tpu.memory_space<hbm>>
    %dma_wait3A_409 = arith.constant 160 : i32
    %dma_wait3A_410 = arith.constant 0 : i32
    %dma_wait3A_411 = tpu.memref_slice %arg7[%dma_wait3A_409, %dma_wait3A_410] : memref<256x128xf32, #tpu.memory_space<vmem>> -> memref<32x128xf32, #tpu.memory_space<vmem>>
    tpu.wait_dma2 semaphore(%arg11 : memref<!tpu.dma_semaphore, #tpu.memory_space<semaphore_mem>>) src(%dma_wait3A_411 : memref<32x128xf32, #tpu.memory_space<vmem>>) dst(%dma_wait3A_408 : memref<32x128xf32, #tpu.memory_space<hbm>>)
    %dma_wait3A_412 = arith.constant 192 : i32
    %dma_wait3A_413 = arith.constant 0 : i32
    %dma_wait3A_414 = tpu.memref_slice %arg7[%dma_wait3A_412, %dma_wait3A_413] : memref<256x128xf32, #tpu.memory_space<vmem>> -> memref<32x128xf32, #tpu.memory_space<vmem>>
    %dma_wait3A_415 = arith.constant 0 : i32
    %dma_wait3A_416 = tpu.memref_slice %arg4[%add3A_313, %dma_wait3A_415] : memref<8192x128xf32, #tpu.memory_space<hbm>> -> memref<32x128xf32, #tpu.memory_space<hbm>>
    %dma_wait3A_417 = arith.constant 0 : i32
    %dma_wait3A_418 = tpu.memref_slice %arg4[%add3A_313, %dma_wait3A_417] : memref<8192x128xf32, #tpu.memory_space<hbm>> -> memref<32x128xf32, #tpu.memory_space<hbm>>
    %dma_wait3A_419 = arith.constant 192 : i32
    %dma_wait3A_420 = arith.constant 0 : i32
    %dma_wait3A_421 = tpu.memref_slice %arg7[%dma_wait3A_419, %dma_wait3A_420] : memref<256x128xf32, #tpu.memory_space<vmem>> -> memref<32x128xf32, #tpu.memory_space<vmem>>
    tpu.wait_dma2 semaphore(%arg11 : memref<!tpu.dma_semaphore, #tpu.memory_space<semaphore_mem>>) src(%dma_wait3A_421 : memref<32x128xf32, #tpu.memory_space<vmem>>) dst(%dma_wait3A_418 : memref<32x128xf32, #tpu.memory_space<hbm>>)
    %dma_wait3A_422 = arith.constant 224 : i32
    %dma_wait3A_423 = arith.constant 0 : i32
    %dma_wait3A_424 = tpu.memref_slice %arg7[%dma_wait3A_422, %dma_wait3A_423] : memref<256x128xf32, #tpu.memory_space<vmem>> -> memref<32x128xf32, #tpu.memory_space<vmem>>
    %dma_wait3A_425 = arith.constant 0 : i32
    %dma_wait3A_426 = tpu.memref_slice %arg4[%add3A_341, %dma_wait3A_425] : memref<8192x128xf32, #tpu.memory_space<hbm>> -> memref<32x128xf32, #tpu.memory_space<hbm>>
    %dma_wait3A_427 = arith.constant 0 : i32
    %dma_wait3A_428 = tpu.memref_slice %arg4[%add3A_341, %dma_wait3A_427] : memref<8192x128xf32, #tpu.memory_space<hbm>> -> memref<32x128xf32, #tpu.memory_space<hbm>>
    %dma_wait3A_429 = arith.constant 224 : i32
    %dma_wait3A_430 = arith.constant 0 : i32
    %dma_wait3A_431 = tpu.memref_slice %arg7[%dma_wait3A_429, %dma_wait3A_430] : memref<256x128xf32, #tpu.memory_space<vmem>> -> memref<32x128xf32, #tpu.memory_space<vmem>>
    tpu.wait_dma2 semaphore(%arg11 : memref<!tpu.dma_semaphore, #tpu.memory_space<semaphore_mem>>) src(%dma_wait3A_431 : memref<32x128xf32, #tpu.memory_space<vmem>>) dst(%dma_wait3A_428 : memref<32x128xf32, #tpu.memory_space<hbm>>)
    return
  }
}

</mosaic_0001>

<sc_bundles>
// kernel: kernel.3.cloned.1.call-start
scs
__scs_entry_jumppad:
0x0: {  	(pc) =	sbr.rel $0x88, $3  }
0x1: {  	(tag) =	ssettag $0x0;
	lr =	simm.s32 $0x1  }
0x2: {  	[smem:$0x3F9F] =	sst lr;
	_ =	strace $0xD0000000  }
0x3: {  	_ = 	snop  }
0x4: {  	_ = 	snop  }
0x5: {  	_ = 	snop  }
0x6: {  	_ = 	snop  }
0x7: {  	_ = 	snop  }
__scs_overlays_trampoline_lowered:
0x8: {  	[smem:$0x3FAE] =	sst s0  }
0x9: {  	[smem:$0x3FAF] =	sst s1  }
0xa: {  	[smem:$0x3FB0] =	sst s2  }
0xb: {  	[smem:$0x3FB1] =	sst s3  }
0xc: {  	[smem:$0x3FB2] =	sst s4  }
0xd: {  	[smem:$0x3FB3] =	sst s5  }
0xe: {  	[smem:$0x3FB4] =	sst s6  }
0xf: {  	[smem:$0x3FB5] =	sst s7  }
0x10: {  	[smem:$0x3FB6] =	sst s8  }
0x11: {  	[smem:$0x3FB7] =	sst s9;
	s0 =	simm.s32 @!p0 $0x0  }
0x12: {  	s1 =	sld [smem:$0x3F9D];
	s0 =	simm.s32 @p0 $0x1  }
0x13: {  	[smem:$0x3FB8] =	sst s0;
	s0 =	simm.s32 @!p1 $0x0  }
0x14: {  	s2 =	sld [smem:$0x3F9C];
	s0 =	simm.s32 @p1 $0x1  }
0x15: {  	[smem:$0x3FB9] =	sst s0;
	s0 =	simm.s32 @!p2 $0x0  }
0x16: {  	s3 =	sld [smem:$0x3FDB];
	s0 =	simm.s32 @p2 $0x1  }
0x17: {  	s4 =	simm.s32 $0x1BF5;
	[smem:$0x3FBB] =	sst s0  }
0x18: {  	s0 =	sld [smem:$0x3F9E];
	_ =	swait.ge [sflag:s4], $0x0  }
0x19: {  	s7 =	sld [smem:$0x3F9F]  }
0x1a: {  	s8 =	sadd.s32 $0xFFFFE003, lr  }
0x1b: {  	s9 =	sadd.s32 $0xFFFFFEF7, lr;
	s5 =	simm.s32 $0xFFFFFFFF;
	p2 =	slt.u32 s8, $0xFFFFF086  }
0x1c: {  	p1 =	slt.u32 s9, $0xF7A;
	s5 =	simm.s32 @!p2 $0x0  }
0x1d: {  	s5 =	simm.s32 @p1 $0x1;
	p0 =	seq.s32 s7, s2  }
0x1e: {  	s7 =	smul.u32 @!p0 $0xF7A, s2;
	p2 =	seq.s32 @!p0 s5, $0x0  }
0x1f: {  	s9 =	smul.u32 $0xF7A, s1;
	s8 =	simm.s32 @!p0 $0x1BF5;
	p2 =	por !p2, p0  }
0x20: {  	[sflag:s8] =	ssyncset.s32 @!p0 $0xFFFFF086;
	s6 =	sadd.s32 @!p0 s3, s7;
	s7 =	simm.s32 @!p0 $0x108  }
0x21: {  	s3 =	sadd.s32 s3, s9;
	s6 =	sadd.s32 @!p0 $0x88, s6;
	s7 =	simm.s32 @p2 $0x1082  }
0x22: {  	[simem:s7], [sflag:s8] =	dma.local @!p0 [hbm:s6], $0xF7A  }
0x23: {  	s9 =	sor.u32 $0xD0000000, s2;
	s6 =	simm.s32 $0x108;
	_ =	swait.ge @!p0 [sflag:s8], $0x0  }
0x24: {  	s3 =	sadd.s32 $0x88, s3;
	s6 =	simm.s32 @!p1 $0x1082;
	[sflag:s4] =	ssyncset.s32 $0xFFFFF086  }
0x25: {  	[simem:s6], [sflag:s4] =	dma.local [hbm:s3], $0xF7A  }
0x26: {  	[smem:$0x3F9F] =	sst s1;
	(tag) =	ssettag s2;
	_ =	strace s9  }
0x27: {  	s1 =	sld [smem:$0x3FAF]  }
0x28: {  	s2 =	sld [smem:$0x3FB0]  }
0x29: {  	s4 =	sld [smem:$0x3FB2]  }
0x2a: {  	p0 =	seq.s32 s5, $0x0;
	s5 =	sld [smem:$0x3FB3]  }
0x2b: {  	s6 =	sld [smem:$0x3FB4]  }
0x2c: {  	s7 =	sld [smem:$0x3FB5]  }
0x2d: {  	s3 =	simm.s32 $0x108;
	s8 =	sld [smem:$0x3FB6]  }
0x2e: {  	s3 =	simm.s32 @!p0 $0x1082;
	s9 =	sld [smem:$0x3FB7]  }
0x2f: {  	lr =	sadd.s32 s0, s3;
	s0 =	sld [smem:$0x3FAE]  }
0x30: {  	s3 =	sld [smem:$0x3FB1]  }
0x31: {  	[smem:$0x3FBA] =	sst s10  }
0x32: {  	s10 =	sld [smem:$0x3FB8];
	_ =	sdelay $0x3  }
0x33: {  	p0 =	seq.s32 s10, $0x1;
	s10 =	sld [smem:$0x3FBA];
	_ =	sdelay $0x3  }
0x34: {  	[smem:$0x3FBA] =	sst s10  }
0x35: {  	s10 =	sld [smem:$0x3FB9];
	_ =	sdelay $0x3  }
0x36: {  	p1 =	seq.s32 s10, $0x1;
	s10 =	sld [smem:$0x3FBA];
	_ =	sdelay $0x3  }
0x37: {  	[smem:$0x3FBA] =	sst s10  }
0x38: {  	s10 =	sld [smem:$0x3FBB]  }
0x39: {  	_ = 	snop;
	(pc) =	sbr.ind lr, $3  }
0x3a: {  	_ = 	snop  }
0x3b: {  	_ = 	snop  }
0x3c: {  	p2 =	seq.s32 s10, $0x1;
	s10 =	sld [smem:$0x3FBA]  }
0x3d: {  	_ =	shalt  }
0x3e: {  	_ =	shalt  }
0x3f: {  	_ =	shalt  }
0x40: {  	_ =	shalt  }
0x41: {  	_ =	shalt  }
0x42: {  	_ =	shalt  }
0x43: {  	_ =	shalt  }
0x44: {  	_ =	shalt  }
0x45: {  	_ =	shalt  }
0x46: {  	_ =	shalt  }
0x47: {  	_ =	shalt  }
0x48: {  	_ =	shalt  }
0x49: {  	_ =	shalt  }
0x4a: {  	_ =	shalt  }
0x4b: {  	_ =	shalt  }
0x4c: {  	_ =	shalt  }
0x4d: {  	_ =	shalt  }
0x4e: {  	_ =	shalt  }
0x4f: {  	_ =	shalt  }
0x50: {  	_ =	shalt  }
0x51: {  	_ =	shalt  }
0x52: {  	_ =	shalt  }
0x53: {  	_ =	shalt  }
0x54: {  	_ =	shalt  }
0x55: {  	_ =	shalt  }
0x56: {  	_ =	shalt  }
0x57: {  	_ =	shalt  }
0x58: {  	_ =	shalt  }
0x59: {  	_ =	shalt  }
0x5a: {  	_ =	shalt  }
0x5b: {  	_ =	shalt  }
0x5c: {  	_ =	shalt  }
0x5d: {  	_ =	shalt  }
0x5e: {  	_ =	shalt  }
0x5f: {  	_ =	shalt  }
0x60: {  	_ =	shalt  }
0x61: {  	_ =	shalt  }
0x62: {  	_ =	shalt  }
0x63: {  	_ =	shalt  }
0x64: {  	_ =	shalt  }
0x65: {  	_ =	shalt  }
0x66: {  	_ =	shalt  }
0x67: {  	_ =	shalt  }
0x68: {  	_ =	shalt  }
0x69: {  	_ =	shalt  }
0x6a: {  	_ =	shalt  }
0x6b: {  	_ =	shalt  }
0x6c: {  	_ =	shalt  }
0x6d: {  	_ =	shalt  }
0x6e: {  	_ =	shalt  }
0x6f: {  	_ =	shalt  }
0x70: {  	_ =	shalt  }
0x71: {  	_ =	shalt  }
0x72: {  	_ =	shalt  }
0x73: {  	_ =	shalt  }
0x74: {  	_ =	shalt  }
0x75: {  	_ =	shalt  }
0x76: {  	_ =	shalt  }
0x77: {  	_ =	shalt  }
0x78: {  	_ =	shalt  }
0x79: {  	_ =	shalt  }
0x7a: {  	_ =	shalt  }
0x7b: {  	_ =	shalt  }
0x7c: {  	_ =	shalt  }
0x7d: {  	_ =	shalt  }
0x7e: {  	_ =	shalt  }
0x7f: {  	_ =	shalt  }
0x80: {  	_ =	shalt  }
0x81: {  	_ =	shalt  }
0x82: {  	_ =	shalt  }
0x83: {  	_ =	shalt  }
0x84: {  	_ =	shalt  }
0x85: {  	_ =	shalt  }
0x86: {  	_ =	shalt  }
0x87: {  	_ =	shalt  }
.Lfunc_end0:
.L_simem_size_0:
called_computation_lowered:
.L_overlay_start_0:
0x88: {  	s2 =	sld [smem:$0x3FD9]  }
0x89: {  	s3 =	sld [smem:$0x3FFE];
	_ =	sdelay $0x1  }
0x8a: {  	s1 =	srdreg.scid  }
0x8b: {  	s0 =	sand.u32 $0x1, s1  }
0x8c: {  	s18 =	sshll.u32 s0, $0xA;
	s2 =	sadd.s32 s3, s2  }
0x8d: {  	s2 =	sadd.s32 s2, s18  }
0x8e: {  	[smem:$0x3FC6] =	sst s2  }
0x8f: {  	_ = 	snop  }
0x90: {  	s2 =	sld [smem:$0x3FC9]  }
0x91: {  	s19 =	sld [smem:$0x3FC8]  }
0x92: {  	s4 =	sld [smem:$0x3FD0];
	(tm) =	ssettm $0x1  }
0x93: {  	s5 =	sld [smem:$0x3FFB];
	_ =	sdelay $0x3  }
0x94: {  	_ =	strace s5  }
0x95: {  	s5 =	sld [smem:$0x3FFC];
	_ =	sdelay $0x3  }
0x96: {  	_ =	strace s5  }
0x97: {  	s5 =	sld [smem:$0x3FFD];
	_ =	sdelay $0x3  }
0x98: {  	_ =	strace s5  }
0x99: {  	_ =	strace $0x8FFFFFFF  }
0x9a: {  	s20 =	sld [smem:$0x3FDB];
	_ =	sdelay $0x1  }
0x9b: {  	s6 =	simm.s32 $_scs_section_size  }
0x9c: {  	s7 =	simm.s32 $_size__tile_overlayer_lowered;
	s8 =	simm.s32 $_tile_overlayer_lowered  }
0x9d: {  	s23 =	simm.s32 $0x1BFF;
	s22 =	sshll.u32 s8, $0x1;
	s5 =	sadd.s32 s6, s20  }
0x9e: {  	s9 =	simm.s32 $0x0;
	s21 =	sshll.u32 s7, $0x1;
	s7 =	sadd.s32 s22, s5  }
0x9f: {  	[timem:s9], [sflag:s23] =	dma.local [hbm:s7], s21  }
0xa0: {  	_ =	swait.ge [sflag:s23], s21  }
0xa1: {  	s6 =	ssub.s32 $0x0, s21;
	[sflag:s23] =	ssyncset.done $0x0  }
0xa2: {  	[sflag:s23] =	ssyncadd.s32 s6;
	_ =	sdelay $0x1  }
0xa3: {  	s24 =	simm.s32 $0x1B8B  }
0xa4: {  	_ =	swait.ge [sflag:s24], $0x1  }
0xa5: {  	[sflag:s24] =	ssyncset.done $0x0  }
0xa6: {  	s25 =	simm.s32 $0x1B8E;
	[sflag:s24] =	ssyncadd.s32 $0xFFFFFFFF  }
0xa7: {  	s26 =	simm.s32 $execute0_lowered;
	[smem:$0x3FD2] =	sst s25  }
0xa8: {  	s6 =	sshll.u32 s26, $0x1;
	_ =	strace $0x80000046;
	[dreg:$0x1] =	wrdreg $0xFFFFFFFF  }
0xa9: {  	s28 =	simm.s32 $_size_execute0_lowered;
	s5 =	sadd.s32 s5, s6;
	[dreg:$0x0] =	wrdreg $0x0  }
0xaa: {  	s6 =	sshll.u32 s28, $0x1;
	[dreg:$0x2] =	wrdreg s5  }
0xab: {  	[dreg:$0x3] =	wrdreg s6  }
0xac: {  	[dreg:$0x4] =	wrdreg $0xC0  }
0xad: {  	_ =	task [dreg:s9], $0x5FFFF  }
0xae: {  	[dreg:$0x1] =	wrdreg $0xFFFFFFFF  }
0xaf: {  	[dreg:$0x0] =	wrdreg $0x60  }
0xb0: {  	[dreg:$0x2] =	wrdreg s19  }
0xb1: {  	[dreg:$0x3] =	wrdreg s2  }
0xb2: {  	[dreg:$0x4] =	wrdreg s4  }
0xb3: {  	[dreg:$0x5] =	wrdreg $0x9  }
0xb4: {  	_ =	task.clear_ibuf [dreg:s9], $0x6FFFF;
	_ =	strace $0x90000046  }
0xb5: {  	s29 =	simm.s32 $0x9;
	_ =	strace $0x80000048  }
0xb6: {  	_ =	swait.ge [sflag:s29], $0x1  }
0xb7: {  	[sflag:s29] =	ssyncadd.s32 $0xFFFFFFFF  }
0xb8: {  	_ =	strace $0x90000048  }
0xb9: {  	_ =	sfence  }
0xba: {  	s30 =	sld [smem:$0x0];
	_ =	sdelay $0x2  }
0xbb: {  	s31 =	sshll.u32 s1, $0xD;
	s1 =	sshrl.u32 s1, $0x2  }
0xbc: {  	s3 =	sand.u32 $0x4000, s31;
	s1 =	sadd.s32 s1, s30  }
0xbd: {  	s0 =	sor.u32 s3, s0;
	s1 =	sshll.u32 s1, $0x11  }
0xbe: {  	s0 =	sor.u32 s1, s0  }
0xbf: {  	s0 =	sadd.s32 $0x8F2B, s0  }
0xc0: {  	[sflag:s0] =	ssyncadd.remote.s32 $0x1  }
0xc1: {  	_ =	sfence.sel $0xFFFF  }
0xc2: {  	[dreg:$0x0] =	wrdreg $0xFFFFFFFF;
	(pc) =	sbr.abs _section_cstart, $3  }
0xc3: {  	[dreg:$0x1] =	wrdreg $0xFFFFFFFF  }
0xc4: {  	_ =	task.clear_ibuf [dreg:s9], $0x2FFFF;
	_ =	strace $0x9FFFFFFF  }
0xc5: {  	(tm) =	ssettm $0x7FFFFFFF  }
tec
execute0_lowered:
.L_overlay_start_1:
0x0: {  	(tag) =	ssettag $0x1  }
0x1: {  	s1 =	rddreg [dreg:$0x0]  }
0x2: {  	s0 =	rddreg [dreg:$0x1]  }
0x3: {  	s2 =	rddreg [dreg:$0x2];
	s3 =	simm.s32 $0x0;
	s4 =	srdreg.scid  }
0x4: {  	s8 =	stileid.u32;
	s14 =	simm.s32 $0x80;
	s16 =	simm.s32 $0x1  }
0x5: {  	s17 =	simm.s32 $0x20;
	s15 =	simm.s32 $0x3;
	s19 =	simm.s32 $0x4  }
0x6: {  	s21 =	simm.s32 $0x5;
	s23 =	simm.s32 $0x6;
	s28 =	simm.s32 $0x8  }
0x7: {  	s29 =	simm.s32 $0xE100;
	s30 =	simm.s32 $0x9;
	s31 =	simm.s32 $0xF100  }
0x8: {  	s18 =	simm.s32 $0x0;
	[smem:$0x7FF] =	sst s3;
	s4 =	sand.u32 $0x1, s4  }
0x9: {  	s6 =	sshll.u32 s8, $0x1;
	s24 =	sshll.u32 s8, $0x2;
	_ =	strace $0x80000047  }
0xa: {  	s5 =	ssub.s32 $0x2, s4;
	s4 =	sor.u32 s4, s6;
	s6 =	sand.u32 $0x30, s24  }
0xb: {  	s24 =	simm.s32 $0xC100;
	s7 =	sshrl.u32 s5, $0x1;
	s25 =	sshll.u32 s4, $0x7  }
0xc: {  	s4 =	sshll.u32 s4, $0xC;
	s0 =	sadd.s32 s0, s6;
	s8 =	sand.u32 $0x380, s25  }
0xd: {  	s4 =	sadd.s32 s2, s4;
	s26 =	ssub.s32 s5, s7;
	s25 =	simm.s32 $0x7  }
0xe: {  	s2 =	simm.s32 $0xA;
	s5 =	sadd.s32 s8, s0;
	s6 =	sadd.s32 $0x200, s4  }
0xf: {  	s7 =	sadd.s32 $0x400, s4;
	s8 =	sadd.s32 $0x600, s4;
	s9 =	sadd.s32 $0x800, s4  }
0x10: {  	s10 =	sadd.s32 $0xA00, s4;
	s11 =	sadd.s32 $0xC00, s4;
	s12 =	sadd.s32 $0xE00, s4  }
0x11: {  	s13 =	smax.u32 s26, $0x1;
	s0 =	simm.s32 $0x2;
	s26 =	simm.s32 $0xD100  }
.LBB2_1:
0x12: {  	s20 =	simm.s32 $0x200  }
0x13: {  	[tilespmem:s3], [sflag:$0x1] =	stream.strided.gather [hbm4b:s5+s14], $0x100, s20, s14, $0x38;
	[tilespmem:$0x10100] =	vst v63  }
0x14: {  	_ =	swait.ge [sflag:s16], $0x100  }
0x15: {  	[sflag:s16] =	ssyncset.done $0x0  }
0x16: {  	s22 =	simm.s32 $0x100;
	[sflag:s16] =	ssyncadd.s32 $0xFFFFFF00  }
0x17: {  	[tilespmem:s22], [sflag:$0x2] =	stream.indirect.gather [hbm4b:s1+s17], $0x80, s3, s17, $0xb8;
	[tilespmem:$0x10100] =	vst v63  }
0x18: {  	s22 =	simm.s32 $0x1100  }
0x19: {  	[tilespmem:s22], [sflag:$0x3] =	stream.indirect.gather [hbm4b:s1+s17], $0x80, s17, s17, $0xb8;
	[tilespmem:$0x10100] =	vst v63  }
0x1a: {  	s20 =	simm.s32 $0x40;
	s22 =	simm.s32 $0x2100  }
0x1b: {  	[tilespmem:s22], [sflag:$0x4] =	stream.indirect.gather [hbm4b:s1+s17], $0x80, s20, s17, $0xb8;
	[tilespmem:$0x10100] =	vst v63  }
0x1c: {  	s20 =	simm.s32 $0x60;
	s22 =	simm.s32 $0x3100  }
0x1d: {  	[tilespmem:s22], [sflag:$0x5] =	stream.indirect.gather [hbm4b:s1+s17], $0x80, s20, s17, $0xb8;
	[tilespmem:$0x10100] =	vst v63  }
0x1e: {  	s22 =	simm.s32 $0x4100  }
0x1f: {  	[tilespmem:s22], [sflag:$0x6] =	stream.indirect.gather [hbm4b:s1+s17], $0x80, s14, s17, $0xb8;
	[tilespmem:$0x10100] =	vst v63  }
0x20: {  	s20 =	simm.s32 $0xA0;
	s22 =	simm.s32 $0x5100  }
0x21: {  	[tilespmem:s22], [sflag:$0x7] =	stream.indirect.gather [hbm4b:s1+s17], $0x80, s20, s17, $0xb8;
	[tilespmem:$0x10100] =	vst v63  }
0x22: {  	s20 =	simm.s32 $0xC0;
	s22 =	simm.s32 $0x6100  }
0x23: {  	[tilespmem:s22], [sflag:$0x8] =	stream.indirect.gather [hbm4b:s1+s17], $0x80, s20, s17, $0xb8;
	[tilespmem:$0x10100] =	vst v63  }
0x24: {  	s20 =	simm.s32 $0xE0;
	s22 =	simm.s32 $0x7100  }
0x25: {  	[tilespmem:s22], [sflag:$0x9] =	stream.indirect.gather [hbm4b:s1+s17], $0x80, s20, s17, $0xb8;
	[tilespmem:$0x10100] =	vst v63  }
0x26: {  	_ =	swait.ge [sflag:s0], $0x1000  }
0x27: {  	[sflag:s0] =	ssyncset.done $0x0  }
0x28: {  	s20 =	simm.s32 $0x0;
	s22 =	simm.s32 $0x200;
	[sflag:s0] =	ssyncadd.s32 $0xFFFFF000  }
.LBB2_2:
0x29: {  	p0 =	sne.s32 s22, $0x3E00;
	v0 =	vld [tilespmem:s20+$0x170]  }
0x2a: {  	v1 =	vld [tilespmem:s20+$0x100]  }
0x2b: {  	v2 =	vld [tilespmem:s20+$0x110]  }
0x2c: {  	v3 =	vld [tilespmem:s20+$0x120]  }
0x2d: {  	v4 =	vld [tilespmem:s20+$0x130]  }
0x2e: {  	v5 =	vld [tilespmem:s20+$0x140];
	v0 =	vmul.f32 $1.131370830e+01, v0  }
0x2f: {  	v1 =	vmul.f32 $1.131370830e+01, v1;
	v6 =	vld [tilespmem:s20+$0x150]  }
0x30: {  	v2 =	vmul.f32 $1.131370830e+01, v2;
	[tilespmem:s20+$0x8170] =	vst.add.f32.msk $0xffff, v0  }
0x31: {  	v0 =	vmul.f32 $1.131370830e+01, v3;
	v3 =	vld [tilespmem:s20+$0x160]  }
0x32: {  	[tilespmem:s20+$0x8100] =	vst.add.f32.msk $0xffff, v1;
	v1 =	vmul.f32 $1.131370830e+01, v4  }
0x33: {  	[tilespmem:s20+$0x8110] =	vst.add.f32.msk $0xffff, v2;
	v2 =	vmul.f32 $1.131370830e+01, v5  }
.Ltmp0:
0x34: {  	[tilespmem:s20+$0x8120] =	vst.add.f32.msk $0xffff, v0;
	v0 =	vmul.f32 $1.131370830e+01, v6;
	(pc) =	sbr.rel @p0 .LBB2_2-.Ltmp0, $4  }
0x35: {  	[tilespmem:s20+$0x8130] =	vst.add.f32.msk $0xffff, v1  }
0x36: {  	[tilespmem:s20+$0x8140] =	vst.add.f32.msk $0xffff, v2;
	v1 =	vmul.f32 $1.131370830e+01, v3  }
0x37: {  	[tilespmem:s20+$0x8150] =	vst.add.f32.msk $0xffff, v0  }
0x38: {  	[tilespmem:s20+$0x8160] =	vst.add.f32.msk $0xffff, v1;
	s20 =	sshra.s32 s22, $0x2;
	s22 =	sadd.s32 $0x200, s22  }
0x39: {  	v0 =	vld [tilespmem:s20+$0x170]  }
0x3a: {  	v1 =	vld [tilespmem:s20+$0x100]  }
0x3b: {  	v2 =	vld [tilespmem:s20+$0x110]  }
0x3c: {  	v3 =	vld [tilespmem:s20+$0x120]  }
0x3d: {  	v4 =	vld [tilespmem:s20+$0x130]  }
0x3e: {  	v5 =	vld [tilespmem:s20+$0x140]  }
0x3f: {  	v6 =	vld [tilespmem:s20+$0x150];
	v0 =	vmul.f32 $1.131370830e+01, v0  }
0x40: {  	v59 =	vld [tilespmem:s20+$0x160];
	v1 =	vmul.f32 $1.131370830e+01, v1  }
0x41: {  	v58 =	vmul.f32 $1.131370830e+01, v2;
	[tilespmem:s20+$0x8170] =	vst.add.f32.msk $0xffff, v0  }
0x42: {  	v3 =	vmul.f32 $1.131370830e+01, v3;
	[tilespmem:s20+$0x8100] =	vst.add.f32.msk $0xffff, v1  }
0x43: {  	v60 =	vmul.f32 $1.131370830e+01, v4;
	[tilespmem:s20+$0x8110] =	vst.add.f32.msk $0xffff, v58  }
0x44: {  	v61 =	vmul.f32 $1.131370830e+01, v5;
	[tilespmem:s20+$0x8120] =	vst.add.f32.msk $0xffff, v3  }
0x45: {  	v62 =	vmul.f32 $1.131370830e+01, v6;
	[tilespmem:s20+$0x8130] =	vst.add.f32.msk $0xffff, v60  }
0x46: {  	v63 =	vmul.f32 $1.131370830e+01, v59;
	[tilespmem:s20+$0x8140] =	vst.add.f32.msk $0xffff, v61  }
0x47: {  	[tilespmem:s20+$0x8150] =	vst.add.f32.msk $0xffff, v62  }
0x48: {  	s22 =	simm.s32 $0x8100;
	[tilespmem:s20+$0x8160] =	vst.add.f32.msk $0xffff, v63;
	s20 =	simm.s32 $0x0  }
0x49: {  	[hbm4b:s4+s20] =	stream.linear.scatter [tilespmem:s22], [sflag:$0xA], $0x1000, $0x38;
	[tilespmem:$0x10100] =	vst v63  }
0x4a: {  	_ =	swait.ge [sflag:s15], $0x1000  }
0x4b: {  	[sflag:s15] =	ssyncset.done $0x0  }
0x4c: {  	s20 =	simm.s32 $0x0;
	s22 =	simm.s32 $0x200;
	[sflag:s15] =	ssyncadd.s32 $0xFFFFF000  }
.LBB2_4:
0x4d: {  	p0 =	sne.s32 s22, $0x3E00;
	v0 =	vld [tilespmem:s20+$0x1170]  }
0x4e: {  	v1 =	vld [tilespmem:s20+$0x1100]  }
0x4f: {  	v2 =	vld [tilespmem:s20+$0x1110]  }
0x50: {  	v3 =	vld [tilespmem:s20+$0x1120]  }
0x51: {  	v4 =	vld [tilespmem:s20+$0x1130]  }
0x52: {  	v5 =	vld [tilespmem:s20+$0x1140];
	v0 =	vmul.f32 $1.131370830e+01, v0  }
0x53: {  	v1 =	vmul.f32 $1.131370830e+01, v1;
	v6 =	vld [tilespmem:s20+$0x1150]  }
0x54: {  	v2 =	vmul.f32 $1.131370830e+01, v2;
	[tilespmem:s20+$0x9170] =	vst.add.f32.msk $0xffff, v0  }
0x55: {  	v0 =	vmul.f32 $1.131370830e+01, v3;
	v3 =	vld [tilespmem:s20+$0x1160]  }
0x56: {  	[tilespmem:s20+$0x9100] =	vst.add.f32.msk $0xffff, v1;
	v1 =	vmul.f32 $1.131370830e+01, v4  }
0x57: {  	[tilespmem:s20+$0x9110] =	vst.add.f32.msk $0xffff, v2;
	v2 =	vmul.f32 $1.131370830e+01, v5  }
.Ltmp1:
0x58: {  	[tilespmem:s20+$0x9120] =	vst.add.f32.msk $0xffff, v0;
	v0 =	vmul.f32 $1.131370830e+01, v6;
	(pc) =	sbr.rel @p0 .LBB2_4-.Ltmp1, $4  }
0x59: {  	[tilespmem:s20+$0x9130] =	vst.add.f32.msk $0xffff, v1  }
0x5a: {  	[tilespmem:s20+$0x9140] =	vst.add.f32.msk $0xffff, v2;
	v1 =	vmul.f32 $1.131370830e+01, v3  }
0x5b: {  	[tilespmem:s20+$0x9150] =	vst.add.f32.msk $0xffff, v0  }
0x5c: {  	[tilespmem:s20+$0x9160] =	vst.add.f32.msk $0xffff, v1;
	s20 =	sshra.s32 s22, $0x2;
	s22 =	sadd.s32 $0x200, s22  }
0x5d: {  	v0 =	vld [tilespmem:s20+$0x1170]  }
0x5e: {  	v1 =	vld [tilespmem:s20+$0x1100]  }
0x5f: {  	v2 =	vld [tilespmem:s20+$0x1110]  }
0x60: {  	v3 =	vld [tilespmem:s20+$0x1120]  }
0x61: {  	v4 =	vld [tilespmem:s20+$0x1130]  }
0x62: {  	v5 =	vld [tilespmem:s20+$0x1140]  }
0x63: {  	v6 =	vld [tilespmem:s20+$0x1150];
	v0 =	vmul.f32 $1.131370830e+01, v0  }
0x64: {  	v59 =	vld [tilespmem:s20+$0x1160];
	v1 =	vmul.f32 $1.131370830e+01, v1  }
0x65: {  	v58 =	vmul.f32 $1.131370830e+01, v2;
	[tilespmem:s20+$0x9170] =	vst.add.f32.msk $0xffff, v0  }
0x66: {  	v3 =	vmul.f32 $1.131370830e+01, v3;
	[tilespmem:s20+$0x9100] =	vst.add.f32.msk $0xffff, v1  }
0x67: {  	v60 =	vmul.f32 $1.131370830e+01, v4;
	[tilespmem:s20+$0x9110] =	vst.add.f32.msk $0xffff, v58  }
0x68: {  	v61 =	vmul.f32 $1.131370830e+01, v5;
	[tilespmem:s20+$0x9120] =	vst.add.f32.msk $0xffff, v3  }
0x69: {  	v62 =	vmul.f32 $1.131370830e+01, v6;
	[tilespmem:s20+$0x9130] =	vst.add.f32.msk $0xffff, v60  }
0x6a: {  	v63 =	vmul.f32 $1.131370830e+01, v59;
	[tilespmem:s20+$0x9140] =	vst.add.f32.msk $0xffff, v61  }
0x6b: {  	[tilespmem:s20+$0x9150] =	vst.add.f32.msk $0xffff, v62  }
0x6c: {  	s22 =	simm.s32 $0x9100;
	[tilespmem:s20+$0x9160] =	vst.add.f32.msk $0xffff, v63;
	s20 =	simm.s32 $0x0  }
0x6d: {  	[hbm4b:s6+s20] =	stream.linear.scatter [tilespmem:s22], [sflag:$0xA], $0x1000, $0x38;
	[tilespmem:$0x10100] =	vst v63  }
0x6e: {  	_ =	swait.ge [sflag:s19], $0x1000  }
0x6f: {  	[sflag:s19] =	ssyncset.done $0x0  }
0x70: {  	s20 =	simm.s32 $0x0;
	s22 =	simm.s32 $0x200;
	[sflag:s19] =	ssyncadd.s32 $0xFFFFF000  }
.LBB2_6:
0x71: {  	p0 =	sne.s32 s22, $0x3E00;
	v0 =	vld [tilespmem:s20+$0x2170]  }
0x72: {  	v1 =	vld [tilespmem:s20+$0x2100]  }
0x73: {  	v2 =	vld [tilespmem:s20+$0x2110]  }
0x74: {  	v3 =	vld [tilespmem:s20+$0x2120]  }
0x75: {  	v4 =	vld [tilespmem:s20+$0x2130]  }
0x76: {  	v5 =	vld [tilespmem:s20+$0x2140];
	v0 =	vmul.f32 $1.131370830e+01, v0  }
0x77: {  	v1 =	vmul.f32 $1.131370830e+01, v1;
	v6 =	vld [tilespmem:s20+$0x2150]  }
0x78: {  	v2 =	vmul.f32 $1.131370830e+01, v2;
	[tilespmem:s20+$0xA170] =	vst.add.f32.msk $0xffff, v0  }
0x79: {  	v0 =	vmul.f32 $1.131370830e+01, v3;
	v3 =	vld [tilespmem:s20+$0x2160]  }
0x7a: {  	[tilespmem:s20+$0xA100] =	vst.add.f32.msk $0xffff, v1;
	v1 =	vmul.f32 $1.131370830e+01, v4  }
0x7b: {  	[tilespmem:s20+$0xA110] =	vst.add.f32.msk $0xffff, v2;
	v2 =	vmul.f32 $1.131370830e+01, v5  }
.Ltmp2:
0x7c: {  	[tilespmem:s20+$0xA120] =	vst.add.f32.msk $0xffff, v0;
	v0 =	vmul.f32 $1.131370830e+01, v6;
	(pc) =	sbr.rel @p0 .LBB2_6-.Ltmp2, $4  }
0x7d: {  	[tilespmem:s20+$0xA130] =	vst.add.f32.msk $0xffff, v1  }
0x7e: {  	[tilespmem:s20+$0xA140] =	vst.add.f32.msk $0xffff, v2;
	v1 =	vmul.f32 $1.131370830e+01, v3  }
0x7f: {  	[tilespmem:s20+$0xA150] =	vst.add.f32.msk $0xffff, v0  }
0x80: {  	[tilespmem:s20+$0xA160] =	vst.add.f32.msk $0xffff, v1;
	s20 =	sshra.s32 s22, $0x2;
	s22 =	sadd.s32 $0x200, s22  }
0x81: {  	v0 =	vld [tilespmem:s20+$0x2170]  }
0x82: {  	v1 =	vld [tilespmem:s20+$0x2100]  }
0x83: {  	v2 =	vld [tilespmem:s20+$0x2110]  }
0x84: {  	v3 =	vld [tilespmem:s20+$0x2120]  }
0x85: {  	v4 =	vld [tilespmem:s20+$0x2130]  }
0x86: {  	v5 =	vld [tilespmem:s20+$0x2140]  }
0x87: {  	v6 =	vld [tilespmem:s20+$0x2150];
	v0 =	vmul.f32 $1.131370830e+01, v0  }
0x88: {  	v59 =	vld [tilespmem:s20+$0x2160];
	v1 =	vmul.f32 $1.131370830e+01, v1  }
0x89: {  	v58 =	vmul.f32 $1.131370830e+01, v2;
	[tilespmem:s20+$0xA170] =	vst.add.f32.msk $0xffff, v0  }
0x8a: {  	v3 =	vmul.f32 $1.131370830e+01, v3;
	[tilespmem:s20+$0xA100] =	vst.add.f32.msk $0xffff, v1  }
0x8b: {  	v60 =	vmul.f32 $1.131370830e+01, v4;
	[tilespmem:s20+$0xA110] =	vst.add.f32.msk $0xffff, v58  }
0x8c: {  	v61 =	vmul.f32 $1.131370830e+01, v5;
	[tilespmem:s20+$0xA120] =	vst.add.f32.msk $0xffff, v3  }
0x8d: {  	v62 =	vmul.f32 $1.131370830e+01, v6;
	[tilespmem:s20+$0xA130] =	vst.add.f32.msk $0xffff, v60  }
0x8e: {  	v63 =	vmul.f32 $1.131370830e+01, v59;
	[tilespmem:s20+$0xA140] =	vst.add.f32.msk $0xffff, v61  }
0x8f: {  	[tilespmem:s20+$0xA150] =	vst.add.f32.msk $0xffff, v62  }
0x90: {  	s22 =	simm.s32 $0xA100;
	[tilespmem:s20+$0xA160] =	vst.add.f32.msk $0xffff, v63;
	s20 =	simm.s32 $0x0  }
0x91: {  	[hbm4b:s7+s20] =	stream.linear.scatter [tilespmem:s22], [sflag:$0xA], $0x1000, $0x38;
	[tilespmem:$0x10100] =	vst v63  }
0x92: {  	_ =	swait.ge [sflag:s21], $0x1000  }
0x93: {  	[sflag:s21] =	ssyncset.done $0x0  }
0x94: {  	s20 =	simm.s32 $0x0;
	s22 =	simm.s32 $0x200;
	[sflag:s21] =	ssyncadd.s32 $0xFFFFF000  }
.LBB2_8:
0x95: {  	p0 =	sne.s32 s22, $0x3E00;
	v0 =	vld [tilespmem:s20+$0x3170]  }
0x96: {  	v1 =	vld [tilespmem:s20+$0x3100]  }
0x97: {  	v2 =	vld [tilespmem:s20+$0x3110]  }
0x98: {  	v3 =	vld [tilespmem:s20+$0x3120]  }
0x99: {  	v4 =	vld [tilespmem:s20+$0x3130]  }
0x9a: {  	v5 =	vld [tilespmem:s20+$0x3140];
	v0 =	vmul.f32 $1.131370830e+01, v0  }
0x9b: {  	v1 =	vmul.f32 $1.131370830e+01, v1;
	v6 =	vld [tilespmem:s20+$0x3150]  }
0x9c: {  	v2 =	vmul.f32 $1.131370830e+01, v2;
	[tilespmem:s20+$0xB170] =	vst.add.f32.msk $0xffff, v0  }
0x9d: {  	v0 =	vmul.f32 $1.131370830e+01, v3;
	v3 =	vld [tilespmem:s20+$0x3160]  }
0x9e: {  	[tilespmem:s20+$0xB100] =	vst.add.f32.msk $0xffff, v1;
	v1 =	vmul.f32 $1.131370830e+01, v4  }
0x9f: {  	[tilespmem:s20+$0xB110] =	vst.add.f32.msk $0xffff, v2;
	v2 =	vmul.f32 $1.131370830e+01, v5  }
.Ltmp3:
0xa0: {  	[tilespmem:s20+$0xB120] =	vst.add.f32.msk $0xffff, v0;
	v0 =	vmul.f32 $1.131370830e+01, v6;
	(pc) =	sbr.rel @p0 .LBB2_8-.Ltmp3, $4  }
0xa1: {  	[tilespmem:s20+$0xB130] =	vst.add.f32.msk $0xffff, v1  }
0xa2: {  	[tilespmem:s20+$0xB140] =	vst.add.f32.msk $0xffff, v2;
	v1 =	vmul.f32 $1.131370830e+01, v3  }
0xa3: {  	[tilespmem:s20+$0xB150] =	vst.add.f32.msk $0xffff, v0  }
0xa4: {  	[tilespmem:s20+$0xB160] =	vst.add.f32.msk $0xffff, v1;
	s20 =	sshra.s32 s22, $0x2;
	s22 =	sadd.s32 $0x200, s22  }
0xa5: {  	v0 =	vld [tilespmem:s20+$0x3170]  }
0xa6: {  	v1 =	vld [tilespmem:s20+$0x3100]  }
0xa7: {  	v2 =	vld [tilespmem:s20+$0x3110]  }
0xa8: {  	v3 =	vld [tilespmem:s20+$0x3120]  }
0xa9: {  	v4 =	vld [tilespmem:s20+$0x3130]  }
0xaa: {  	v5 =	vld [tilespmem:s20+$0x3140]  }
0xab: {  	v6 =	vld [tilespmem:s20+$0x3150];
	v0 =	vmul.f32 $1.131370830e+01, v0  }
0xac: {  	v59 =	vld [tilespmem:s20+$0x3160];
	v1 =	vmul.f32 $1.131370830e+01, v1  }
0xad: {  	v58 =	vmul.f32 $1.131370830e+01, v2;
	[tilespmem:s20+$0xB170] =	vst.add.f32.msk $0xffff, v0  }
0xae: {  	v3 =	vmul.f32 $1.131370830e+01, v3;
	[tilespmem:s20+$0xB100] =	vst.add.f32.msk $0xffff, v1  }
0xaf: {  	v60 =	vmul.f32 $1.131370830e+01, v4;
	[tilespmem:s20+$0xB110] =	vst.add.f32.msk $0xffff, v58  }
0xb0: {  	v61 =	vmul.f32 $1.131370830e+01, v5;
	[tilespmem:s20+$0xB120] =	vst.add.f32.msk $0xffff, v3  }
0xb1: {  	v62 =	vmul.f32 $1.131370830e+01, v6;
	[tilespmem:s20+$0xB130] =	vst.add.f32.msk $0xffff, v60  }
0xb2: {  	v63 =	vmul.f32 $1.131370830e+01, v59;
	[tilespmem:s20+$0xB140] =	vst.add.f32.msk $0xffff, v61  }
0xb3: {  	[tilespmem:s20+$0xB150] =	vst.add.f32.msk $0xffff, v62  }
0xb4: {  	s22 =	simm.s32 $0xB100;
	[tilespmem:s20+$0xB160] =	vst.add.f32.msk $0xffff, v63;
	s20 =	simm.s32 $0x0  }
0xb5: {  	[hbm4b:s8+s20] =	stream.linear.scatter [tilespmem:s22], [sflag:$0xA], $0x1000, $0x38;
	[tilespmem:$0x10100] =	vst v63  }
0xb6: {  	_ =	swait.ge [sflag:s23], $0x1000  }
0xb7: {  	[sflag:s23] =	ssyncset.done $0x0  }
0xb8: {  	s20 =	simm.s32 $0x0;
	s22 =	simm.s32 $0x200;
	[sflag:s23] =	ssyncadd.s32 $0xFFFFF000  }
.LBB2_10:
0xb9: {  	p0 =	sne.s32 s22, $0x3E00;
	v0 =	vld [tilespmem:s20+$0x4170]  }
0xba: {  	v1 =	vld [tilespmem:s20+$0x4100]  }
0xbb: {  	v2 =	vld [tilespmem:s20+$0x4110]  }
0xbc: {  	v3 =	vld [tilespmem:s20+$0x4120]  }
0xbd: {  	v4 =	vld [tilespmem:s20+$0x4130]  }
0xbe: {  	v5 =	vld [tilespmem:s20+$0x4140];
	v0 =	vmul.f32 $1.131370830e+01, v0  }
0xbf: {  	v1 =	vmul.f32 $1.131370830e+01, v1;
	v6 =	vld [tilespmem:s20+$0x4150]  }
0xc0: {  	v2 =	vmul.f32 $1.131370830e+01, v2;
	[tilespmem:s20+$0xC170] =	vst.add.f32.msk $0xffff, v0  }
0xc1: {  	v0 =	vmul.f32 $1.131370830e+01, v3;
	v3 =	vld [tilespmem:s20+$0x4160]  }
0xc2: {  	[tilespmem:s20+$0xC100] =	vst.add.f32.msk $0xffff, v1;
	v1 =	vmul.f32 $1.131370830e+01, v4  }
0xc3: {  	[tilespmem:s20+$0xC110] =	vst.add.f32.msk $0xffff, v2;
	v2 =	vmul.f32 $1.131370830e+01, v5  }
.Ltmp4:
0xc4: {  	[tilespmem:s20+$0xC120] =	vst.add.f32.msk $0xffff, v0;
	v0 =	vmul.f32 $1.131370830e+01, v6;
	(pc) =	sbr.rel @p0 .LBB2_10-.Ltmp4, $4  }
0xc5: {  	[tilespmem:s20+$0xC130] =	vst.add.f32.msk $0xffff, v1  }
0xc6: {  	[tilespmem:s20+$0xC140] =	vst.add.f32.msk $0xffff, v2;
	v1 =	vmul.f32 $1.131370830e+01, v3  }
0xc7: {  	[tilespmem:s20+$0xC150] =	vst.add.f32.msk $0xffff, v0  }
0xc8: {  	[tilespmem:s20+$0xC160] =	vst.add.f32.msk $0xffff, v1;
	s20 =	sshra.s32 s22, $0x2;
	s22 =	sadd.s32 $0x200, s22  }
0xc9: {  	v0 =	vld [tilespmem:s20+$0x4170]  }
0xca: {  	v1 =	vld [tilespmem:s20+$0x4100]  }
0xcb: {  	v2 =	vld [tilespmem:s20+$0x4110]  }
0xcc: {  	v3 =	vld [tilespmem:s20+$0x4120]  }
0xcd: {  	v4 =	vld [tilespmem:s20+$0x4130]  }
0xce: {  	v5 =	vld [tilespmem:s20+$0x4140]  }
0xcf: {  	v6 =	vld [tilespmem:s20+$0x4150];
	v0 =	vmul.f32 $1.131370830e+01, v0  }
0xd0: {  	v59 =	vld [tilespmem:s20+$0x4160];
	v1 =	vmul.f32 $1.131370830e+01, v1  }
0xd1: {  	v58 =	vmul.f32 $1.131370830e+01, v2;
	[tilespmem:s20+$0xC170] =	vst.add.f32.msk $0xffff, v0  }
0xd2: {  	v3 =	vmul.f32 $1.131370830e+01, v3;
	[tilespmem:s20+$0xC100] =	vst.add.f32.msk $0xffff, v1  }
0xd3: {  	v60 =	vmul.f32 $1.131370830e+01, v4;
	[tilespmem:s20+$0xC110] =	vst.add.f32.msk $0xffff, v58  }
0xd4: {  	v61 =	vmul.f32 $1.131370830e+01, v5;
	[tilespmem:s20+$0xC120] =	vst.add.f32.msk $0xffff, v3  }
0xd5: {  	v62 =	vmul.f32 $1.131370830e+01, v6;
	[tilespmem:s20+$0xC130] =	vst.add.f32.msk $0xffff, v60  }
0xd6: {  	v63 =	vmul.f32 $1.131370830e+01, v59;
	[tilespmem:s20+$0xC140] =	vst.add.f32.msk $0xffff, v61  }
0xd7: {  	[tilespmem:s20+$0xC150] =	vst.add.f32.msk $0xffff, v62  }
0xd8: {  	s22 =	simm.s32 $0x0;
	[tilespmem:s20+$0xC160] =	vst.add.f32.msk $0xffff, v63  }
0xd9: {  	[hbm4b:s9+s22] =	stream.linear.scatter [tilespmem:s24], [sflag:$0xA], $0x1000, $0x38;
	[tilespmem:$0x10100] =	vst v63  }
0xda: {  	_ =	swait.ge [sflag:s25], $0x1000  }
0xdb: {  	[sflag:s25] =	ssyncset.done $0x0  }
0xdc: {  	s20 =	simm.s32 $0x0;
	s22 =	simm.s32 $0x200;
	[sflag:s25] =	ssyncadd.s32 $0xFFFFF000  }
.LBB2_12:
0xdd: {  	p0 =	sne.s32 s22, $0x3E00;
	v0 =	vld [tilespmem:s20+$0x5170]  }
0xde: {  	v1 =	vld [tilespmem:s20+$0x5100]  }
0xdf: {  	v2 =	vld [tilespmem:s20+$0x5110]  }
0xe0: {  	v3 =	vld [tilespmem:s20+$0x5120]  }
0xe1: {  	v4 =	vld [tilespmem:s20+$0x5130]  }
0xe2: {  	v5 =	vld [tilespmem:s20+$0x5140];
	v0 =	vmul.f32 $1.131370830e+01, v0  }
0xe3: {  	v1 =	vmul.f32 $1.131370830e+01, v1;
	v6 =	vld [tilespmem:s20+$0x5150]  }
0xe4: {  	v2 =	vmul.f32 $1.131370830e+01, v2;
	[tilespmem:s20+$0xD170] =	vst.add.f32.msk $0xffff, v0  }
0xe5: {  	v0 =	vmul.f32 $1.131370830e+01, v3;
	v3 =	vld [tilespmem:s20+$0x5160]  }
0xe6: {  	[tilespmem:s20+$0xD100] =	vst.add.f32.msk $0xffff, v1;
	v1 =	vmul.f32 $1.131370830e+01, v4  }
0xe7: {  	[tilespmem:s20+$0xD110] =	vst.add.f32.msk $0xffff, v2;
	v2 =	vmul.f32 $1.131370830e+01, v5  }
.Ltmp5:
0xe8: {  	[tilespmem:s20+$0xD120] =	vst.add.f32.msk $0xffff, v0;
	v0 =	vmul.f32 $1.131370830e+01, v6;
	(pc) =	sbr.rel @p0 .LBB2_12-.Ltmp5, $4  }
0xe9: {  	[tilespmem:s20+$0xD130] =	vst.add.f32.msk $0xffff, v1  }
0xea: {  	[tilespmem:s20+$0xD140] =	vst.add.f32.msk $0xffff, v2;
	v1 =	vmul.f32 $1.131370830e+01, v3  }
0xeb: {  	[tilespmem:s20+$0xD150] =	vst.add.f32.msk $0xffff, v0  }
0xec: {  	[tilespmem:s20+$0xD160] =	vst.add.f32.msk $0xffff, v1;
	s20 =	sshra.s32 s22, $0x2;
	s22 =	sadd.s32 $0x200, s22  }
0xed: {  	v0 =	vld [tilespmem:s20+$0x5170]  }
0xee: {  	v1 =	vld [tilespmem:s20+$0x5100]  }
0xef: {  	v2 =	vld [tilespmem:s20+$0x5110]  }
0xf0: {  	v3 =	vld [tilespmem:s20+$0x5120]  }
0xf1: {  	v4 =	vld [tilespmem:s20+$0x5130]  }
0xf2: {  	v5 =	vld [tilespmem:s20+$0x5140]  }
0xf3: {  	v6 =	vld [tilespmem:s20+$0x5150];
	v0 =	vmul.f32 $1.131370830e+01, v0  }
0xf4: {  	v59 =	vld [tilespmem:s20+$0x5160];
	v1 =	vmul.f32 $1.131370830e+01, v1  }
0xf5: {  	v58 =	vmul.f32 $1.131370830e+01, v2;
	[tilespmem:s20+$0xD170] =	vst.add.f32.msk $0xffff, v0  }
0xf6: {  	v3 =	vmul.f32 $1.131370830e+01, v3;
	[tilespmem:s20+$0xD100] =	vst.add.f32.msk $0xffff, v1  }
0xf7: {  	v60 =	vmul.f32 $1.131370830e+01, v4;
	[tilespmem:s20+$0xD110] =	vst.add.f32.msk $0xffff, v58  }
0xf8: {  	v61 =	vmul.f32 $1.131370830e+01, v5;
	[tilespmem:s20+$0xD120] =	vst.add.f32.msk $0xffff, v3  }
0xf9: {  	v62 =	vmul.f32 $1.131370830e+01, v6;
	[tilespmem:s20+$0xD130] =	vst.add.f32.msk $0xffff, v60  }
0xfa: {  	v63 =	vmul.f32 $1.131370830e+01, v59;
	[tilespmem:s20+$0xD140] =	vst.add.f32.msk $0xffff, v61  }
0xfb: {  	[tilespmem:s20+$0xD150] =	vst.add.f32.msk $0xffff, v62  }
0xfc: {  	s22 =	simm.s32 $0x0;
	[tilespmem:s20+$0xD160] =	vst.add.f32.msk $0xffff, v63  }
0xfd: {  	[hbm4b:s10+s22] =	stream.linear.scatter [tilespmem:s26], [sflag:$0xA], $0x1000, $0x38;
	[tilespmem:$0x10100] =	vst v63  }
0xfe: {  	_ =	swait.ge [sflag:s28], $0x1000  }
0xff: {  	[sflag:s28] =	ssyncset.done $0x0  }
0x100: {  	s20 =	simm.s32 $0x0;
	s22 =	simm.s32 $0x200;
	[sflag:s28] =	ssyncadd.s32 $0xFFFFF000  }
.LBB2_14:
0x101: {  	p0 =	sne.s32 s22, $0x3E00;
	v0 =	vld [tilespmem:s20+$0x6170]  }
0x102: {  	v1 =	vld [tilespmem:s20+$0x6100]  }
0x103: {  	v2 =	vld [tilespmem:s20+$0x6110]  }
0x104: {  	v3 =	vld [tilespmem:s20+$0x6120]  }
0x105: {  	v4 =	vld [tilespmem:s20+$0x6130]  }
0x106: {  	v5 =	vld [tilespmem:s20+$0x6140];
	v0 =	vmul.f32 $1.131370830e+01, v0  }
0x107: {  	v1 =	vmul.f32 $1.131370830e+01, v1;
	v6 =	vld [tilespmem:s20+$0x6150]  }
0x108: {  	v2 =	vmul.f32 $1.131370830e+01, v2;
	[tilespmem:s20+$0xE170] =	vst.add.f32.msk $0xffff, v0  }
0x109: {  	v0 =	vmul.f32 $1.131370830e+01, v3;
	v3 =	vld [tilespmem:s20+$0x6160]  }
0x10a: {  	[tilespmem:s20+$0xE100] =	vst.add.f32.msk $0xffff, v1;
	v1 =	vmul.f32 $1.131370830e+01, v4  }
0x10b: {  	[tilespmem:s20+$0xE110] =	vst.add.f32.msk $0xffff, v2;
	v2 =	vmul.f32 $1.131370830e+01, v5  }
.Ltmp6:
0x10c: {  	[tilespmem:s20+$0xE120] =	vst.add.f32.msk $0xffff, v0;
	v0 =	vmul.f32 $1.131370830e+01, v6;
	(pc) =	sbr.rel @p0 .LBB2_14-.Ltmp6, $4  }
0x10d: {  	[tilespmem:s20+$0xE130] =	vst.add.f32.msk $0xffff, v1  }
0x10e: {  	[tilespmem:s20+$0xE140] =	vst.add.f32.msk $0xffff, v2;
	v1 =	vmul.f32 $1.131370830e+01, v3  }
0x10f: {  	[tilespmem:s20+$0xE150] =	vst.add.f32.msk $0xffff, v0  }
0x110: {  	[tilespmem:s20+$0xE160] =	vst.add.f32.msk $0xffff, v1;
	s20 =	sshra.s32 s22, $0x2;
	s22 =	sadd.s32 $0x200, s22  }
0x111: {  	v0 =	vld [tilespmem:s20+$0x6170]  }
0x112: {  	v1 =	vld [tilespmem:s20+$0x6100]  }
0x113: {  	v2 =	vld [tilespmem:s20+$0x6110]  }
0x114: {  	v3 =	vld [tilespmem:s20+$0x6120]  }
0x115: {  	v4 =	vld [tilespmem:s20+$0x6130]  }
0x116: {  	v5 =	vld [tilespmem:s20+$0x6140]  }
0x117: {  	v6 =	vld [tilespmem:s20+$0x6150];
	v0 =	vmul.f32 $1.131370830e+01, v0  }
0x118: {  	v59 =	vld [tilespmem:s20+$0x6160];
	v1 =	vmul.f32 $1.131370830e+01, v1  }
0x119: {  	v58 =	vmul.f32 $1.131370830e+01, v2;
	[tilespmem:s20+$0xE170] =	vst.add.f32.msk $0xffff, v0  }
0x11a: {  	v3 =	vmul.f32 $1.131370830e+01, v3;
	[tilespmem:s20+$0xE100] =	vst.add.f32.msk $0xffff, v1  }
0x11b: {  	v60 =	vmul.f32 $1.131370830e+01, v4;
	[tilespmem:s20+$0xE110] =	vst.add.f32.msk $0xffff, v58  }
0x11c: {  	v61 =	vmul.f32 $1.131370830e+01, v5;
	[tilespmem:s20+$0xE120] =	vst.add.f32.msk $0xffff, v3  }
0x11d: {  	v62 =	vmul.f32 $1.131370830e+01, v6;
	[tilespmem:s20+$0xE130] =	vst.add.f32.msk $0xffff, v60  }
0x11e: {  	v63 =	vmul.f32 $1.131370830e+01, v59;
	[tilespmem:s20+$0xE140] =	vst.add.f32.msk $0xffff, v61  }
0x11f: {  	[tilespmem:s20+$0xE150] =	vst.add.f32.msk $0xffff, v62  }
0x120: {  	s22 =	simm.s32 $0x0;
	[tilespmem:s20+$0xE160] =	vst.add.f32.msk $0xffff, v63  }
0x121: {  	[hbm4b:s11+s22] =	stream.linear.scatter [tilespmem:s29], [sflag:$0xA], $0x1000, $0x38;
	[tilespmem:$0x10100] =	vst v63  }
0x122: {  	_ =	swait.ge [sflag:s30], $0x1000  }
0x123: {  	[sflag:s30] =	ssyncset.done $0x0  }
0x124: {  	s20 =	simm.s32 $0x0;
	s22 =	simm.s32 $0x200;
	[sflag:s30] =	ssyncadd.s32 $0xFFFFF000  }
.LBB2_16:
0x125: {  	p0 =	sne.s32 s22, $0x3E00;
	v0 =	vld [tilespmem:s20+$0x7170]  }
0x126: {  	v1 =	vld [tilespmem:s20+$0x7100]  }
0x127: {  	v2 =	vld [tilespmem:s20+$0x7110]  }
0x128: {  	v3 =	vld [tilespmem:s20+$0x7120]  }
0x129: {  	v4 =	vld [tilespmem:s20+$0x7130]  }
0x12a: {  	v5 =	vld [tilespmem:s20+$0x7140];
	v0 =	vmul.f32 $1.131370830e+01, v0  }
0x12b: {  	v1 =	vmul.f32 $1.131370830e+01, v1;
	v6 =	vld [tilespmem:s20+$0x7150]  }
0x12c: {  	v2 =	vmul.f32 $1.131370830e+01, v2;
	[tilespmem:s20+$0xF170] =	vst.add.f32.msk $0xffff, v0  }
0x12d: {  	v0 =	vmul.f32 $1.131370830e+01, v3;
	v3 =	vld [tilespmem:s20+$0x7160]  }
0x12e: {  	[tilespmem:s20+$0xF100] =	vst.add.f32.msk $0xffff, v1;
	v1 =	vmul.f32 $1.131370830e+01, v4  }
0x12f: {  	[tilespmem:s20+$0xF110] =	vst.add.f32.msk $0xffff, v2;
	v2 =	vmul.f32 $1.131370830e+01, v5  }
.Ltmp7:
0x130: {  	[tilespmem:s20+$0xF120] =	vst.add.f32.msk $0xffff, v0;
	v0 =	vmul.f32 $1.131370830e+01, v6;
	(pc) =	sbr.rel @p0 .LBB2_16-.Ltmp7, $4  }
0x131: {  	[tilespmem:s20+$0xF130] =	vst.add.f32.msk $0xffff, v1  }
0x132: {  	[tilespmem:s20+$0xF140] =	vst.add.f32.msk $0xffff, v2;
	v1 =	vmul.f32 $1.131370830e+01, v3  }
0x133: {  	[tilespmem:s20+$0xF150] =	vst.add.f32.msk $0xffff, v0  }
0x134: {  	[tilespmem:s20+$0xF160] =	vst.add.f32.msk $0xffff, v1;
	s20 =	sshra.s32 s22, $0x2;
	s22 =	sadd.s32 $0x200, s22  }
0x135: {  	v0 =	vld [tilespmem:s20+$0x7170]  }
0x136: {  	v1 =	vld [tilespmem:s20+$0x7100]  }
0x137: {  	v2 =	vld [tilespmem:s20+$0x7110]  }
0x138: {  	v3 =	vld [tilespmem:s20+$0x7120]  }
0x139: {  	v4 =	vld [tilespmem:s20+$0x7130]  }
0x13a: {  	v5 =	vld [tilespmem:s20+$0x7140]  }
0x13b: {  	v6 =	vld [tilespmem:s20+$0x7150];
	v0 =	vmul.f32 $1.131370830e+01, v0  }
0x13c: {  	v59 =	vld [tilespmem:s20+$0x7160];
	v1 =	vmul.f32 $1.131370830e+01, v1  }
0x13d: {  	v58 =	vmul.f32 $1.131370830e+01, v2;
	[tilespmem:s20+$0xF170] =	vst.add.f32.msk $0xffff, v0  }
0x13e: {  	v3 =	vmul.f32 $1.131370830e+01, v3;
	[tilespmem:s20+$0xF100] =	vst.add.f32.msk $0xffff, v1  }
0x13f: {  	v60 =	vmul.f32 $1.131370830e+01, v4;
	[tilespmem:s20+$0xF110] =	vst.add.f32.msk $0xffff, v58  }
0x140: {  	v61 =	vmul.f32 $1.131370830e+01, v5;
	[tilespmem:s20+$0xF120] =	vst.add.f32.msk $0xffff, v3  }
0x141: {  	v62 =	vmul.f32 $1.131370830e+01, v6;
	[tilespmem:s20+$0xF130] =	vst.add.f32.msk $0xffff, v60  }
0x142: {  	v63 =	vmul.f32 $1.131370830e+01, v59;
	[tilespmem:s20+$0xF140] =	vst.add.f32.msk $0xffff, v61  }
0x143: {  	[tilespmem:s20+$0xF150] =	vst.add.f32.msk $0xffff, v62  }
0x144: {  	[tilespmem:s20+$0xF160] =	vst.add.f32.msk $0xffff, v63  }
0x145: {  	[hbm4b:s12+s3] =	stream.linear.scatter [tilespmem:s31], [sflag:$0xA], $0x1000, $0x38;
	[tilespmem:$0x10100] =	vst v63  }
0x146: {  	_ =	swait.ge [sflag:s2], $0x1000  }
0x147: {  	[sflag:s2] =	ssyncset.done $0x0  }
0x148: {  	[sflag:s2] =	ssyncadd.s32 $0xFFFFF000  }
0x149: {  	_ =	swait.ge [sflag:s2], $0x1000  }
0x14a: {  	[sflag:s2] =	ssyncset.done $0x0  }
0x14b: {  	[sflag:s2] =	ssyncadd.s32 $0xFFFFF000  }
0x14c: {  	_ =	swait.ge [sflag:s2], $0x1000  }
0x14d: {  	[sflag:s2] =	ssyncset.done $0x0  }
0x14e: {  	[sflag:s2] =	ssyncadd.s32 $0xFFFFF000  }
0x14f: {  	_ =	swait.ge [sflag:s2], $0x1000  }
0x150: {  	[sflag:s2] =	ssyncset.done $0x0  }
0x151: {  	[sflag:s2] =	ssyncadd.s32 $0xFFFFF000  }
0x152: {  	_ =	swait.ge [sflag:s2], $0x1000  }
0x153: {  	[sflag:s2] =	ssyncset.done $0x0  }
0x154: {  	[sflag:s2] =	ssyncadd.s32 $0xFFFFF000  }
0x155: {  	_ =	swait.ge [sflag:s2], $0x1000  }
0x156: {  	[sflag:s2] =	ssyncset.done $0x0  }
0x157: {  	s18 =	sadd.s32 $0x1, s18;
	[sflag:s2] =	ssyncadd.s32 $0xFFFFF000  }
0x158: {  	p0 =	sne.s32 s18, s13;
	_ =	swait.ge [sflag:s2], $0x1000  }
.Ltmp8:
0x159: {  	[sflag:s2] =	ssyncset.done $0x0;
	(pc) =	sbr.rel @p0 .LBB2_1-.Ltmp8, $4  }
0x15a: {  	[sflag:s2] =	ssyncadd.s32 $0xFFFFF000  }
0x15b: {  	_ =	swait.ge [sflag:s2], $0x1000  }
0x15c: {  	[sflag:s2] =	ssyncset.done $0x0  }
0x15d: {  	[sflag:s2] =	ssyncadd.s32 $0xFFFFF000  }
0x15e: {  	_ =	sfence.sel $0x180000  }
0x15f: {  	[bflag:$0x0] =	sbarrier.arrive $0xFFFF  }
0x160: {  	_ =	strace $0x90000047  }
0x161: {  	s0 =	stileid.u32;
	[bflag:$0x2] =	sbarrier.arrive $0xFFFF  }
0x162: {  	p0 =	sne.s32 s0, $0x0;
	s0 =	rddreg [dreg:$0x3]  }
0x163: {  	s0 =	sadd.s32 @!p0 $0x100000, s0  }
0x164: {  	[sflag:s0] =	ssyncadd.tile.s32 @!p0 $0x1;
	_ =	shalt  }
.Lfunc_end2:
_tile_overlayer_lowered:
.L_overlay_start_2:
0x165: {  	(tag) =	ssettag $0x2  }
0x166: {  	s0 =	rddreg [dreg:$0x0];
	s2 =	stileid.u32  }
0x167: {  	s1 =	rddreg [dreg:$0x1];
	p0 =	sne.s32 s2, $0x0  }
0x168: {  	s3 =	rddreg [dreg:$0x2];
	[bflag:$0x3] =	sbarrier.arrive $0xFFFF;
	s2 =	simm.s32 @!p0 $0x1C0B  }
0x169: {  	[timem:s3], [sflag:s2] =	dma.local @!p0 [hbm:s0], s1  }
0x16a: {  	s0 =	simm.s32 @!p0 $0xB  }
0x16b: {  	_ =	swait.ge @!p0 [sflag:s0], s1  }
0x16c: {  	s1 =	ssub.s32 @!p0 $0x0, s1;
	[sflag:s0] =	ssyncset.done @!p0 $0x0  }
0x16d: {  	[sflag:s0] =	ssyncadd.s32 @!p0 s1  }
0x16e: {  	[bflag:$0x3] =	sbarrier.arrive $0xFFFF  }
0x16f: {  	_ =	shalt  }

</sc_bundles>
